<compile_context>
chip_gen: v7x
topology: tpu7x:2x2x1
jax: 0.10.2.dev20260603
libtpu: 0.0.44.dev20260713+nightly
codegen_flags: <defaults>
</compile_context>

<pallas_src>
import functools

import jax
import jax.numpy as jnp
from jax import lax
from jax.experimental import pallas as pl
from jax.experimental.pallas import tpu as pltpu
from jax.experimental.pallas import tpu_sc as plsc

_P = 0.1
_SEED = 42
_LANES = 16
_CHUNK = 128


@functools.lru_cache(maxsize=None)
def _compaction_kernel(B: int, L: int, V: int):
    mesh = plsc.VectorSubcoreMesh(core_axis_name="c", subcore_axis_name="s")
    n_vecs = L // _LANES

    @functools.partial(
        pl.kernel,
        mesh=mesh,
        out_type=jax.ShapeDtypeStruct((B * L, V), jnp.float32),
        scratch_types=[
            pltpu.VMEM((L,), jnp.int32),
            pltpu.VMEM((L,), jnp.int32),
            pltpu.VMEM((2, _CHUNK, V), jnp.float32),
            pltpu.VMEM((_CHUNK, V), jnp.float32),
            pltpu.SemaphoreType.DMA,
            pltpu.SemaphoreType.DMA,
            pltpu.SemaphoreType.DMA,
        ],
        compiler_params=pltpu.CompilerParams(
            needs_layout_passes=False, use_tc_tiling_on_sc=False),
    )
    def kern(msg_hbm, keep_hbm, eos_hbm, out_hbm,
             keep_v, src_v, buf_v, eos_v, sem, o0, o1):
        cid = lax.axis_index("c")
        sid = lax.axis_index("s")
        wid = sid * 2 + cid

        if True:
            b = wid // 2
            h = wid % 2
            base = b * L
            pltpu.sync_copy(keep_hbm.at[b], keep_v)
            pltpu.sync_copy(eos_hbm, eos_v)

            def fill(i, c):
                src_v[pl.ds(i * _LANES, _LANES)] = jnp.full(
                    (_LANES,), base, jnp.int32)
                return c

            lax.fori_loop(0, n_vecs, fill, 0)

            def scan_step(i, cnt):
                kv = keep_v[pl.ds(i * _LANES, _LANES)]
                s = jnp.cumsum(kv)
                slots = s + (cnt - 1)
                pos = base + i * _LANES + lax.iota(jnp.int32, _LANES)
                plsc.store_scatter(src_v, [slots], pos, mask=kv > 0)
                return cnt + jnp.max(s)

            num_kept = lax.fori_loop(0, n_vecs, scan_step, jnp.int32(0))

            n_full = num_kept // _CHUNK
            nh = (n_full - h + 1) // 2

            def wait_out(p):
                @pl.when(p == 0)
                def _():
                    pltpu.make_async_copy(
                        buf_v.at[0], out_hbm.at[pl.ds(base, _CHUNK)],
                        o0).wait()

                @pl.when(p == 1)
                def _():
                    pltpu.make_async_copy(
                        buf_v.at[1], out_hbm.at[pl.ds(base, _CHUNK)],
                        o1).wait()

            def gather_step(i, c):
                j = h + 2 * i
                p = i % 2

                @pl.when(i >= 2)
                def _():
                    wait_out(p)

                idx = src_v.at[pl.ds(j * _CHUNK, _CHUNK)]
                dst = out_hbm.at[pl.ds(base + j * _CHUNK, _CHUNK)]

                @pl.when(p == 0)
                def _():
                    pltpu.async_copy(msg_hbm.at[idx], buf_v.at[0], sem).wait()
                    pltpu.async_copy(buf_v.at[0], dst, o0)

                @pl.when(p == 1)
                def _():
                    pltpu.async_copy(msg_hbm.at[idx], buf_v.at[1], sem).wait()
                    pltpu.async_copy(buf_v.at[1], dst, o1)

                return c

            lax.fori_loop(0, nh, gather_step, 0)

            @pl.when(nh >= 2)
            def _():
                wait_out(nh % 2)

            @pl.when(nh >= 1)
            def _():
                wait_out((nh + 1) % 2)

            c0 = num_kept - n_full * _CHUNK
            eos_head = jnp.where(
                lax.iota(jnp.int32, _LANES) == 0, 1.0, 0.0
            ).astype(jnp.float32)
            eos_zero = jnp.zeros((_LANES,), jnp.float32)

            @pl.when(jnp.logical_and(c0 > 0, (n_full % 2) == h))
            def _boundary():
                idx = src_v.at[pl.ds(n_full * _CHUNK, _CHUNK)]
                pltpu.async_copy(msg_hbm.at[idx], buf_v.at[0], sem).wait()

                def fix(j, c):
                    buf_v[0, j, pl.ds(0, _LANES)] = eos_head
                    for k in range(1, V // _LANES):
                        buf_v[0, j, pl.ds(k * _LANES, _LANES)] = eos_zero
                    return c

                lax.fori_loop(c0, _CHUNK, fix, 0)
                pltpu.sync_copy(
                    buf_v.at[0],
                    out_hbm.at[pl.ds(base + n_full * _CHUNK, _CHUNK)])

            pad0 = n_full + jnp.where(c0 > 0, 1, 0)
            p0h = pad0 + (pad0 + h) % 2

            def pad_step(i, c):
                j = p0h + 2 * i
                pltpu.sync_copy(eos_v, out_hbm.at[pl.ds(base + j * _CHUNK, _CHUNK)])
                return c

            lax.fori_loop(0, (L // _CHUNK + 1 - p0h) // 2, pad_step, 0)

    return kern


def kernel(message, message_length, apply_noise):
    B, L, V = message.shape
    target = jax.random.uniform(jax.random.key(_SEED), (B, L)) < _P
    not_eosed = jnp.arange(L)[None, :] < (message_length - 1)[:, None]
    delete = jnp.logical_and(target, not_eosed)
    delete = jnp.logical_and(delete, jnp.asarray(apply_noise) != 0)
    keep = 1 - delete.astype(jnp.int32)
    eos = jnp.zeros((_CHUNK, V), jnp.float32).at[:, 0].set(1.0)
    msg_flat = message.reshape(B * L, V)
    out = _compaction_kernel(B, L, V)(msg_flat, keep, eos)
    return out.reshape(B, L, V)

# --- scband reference (transcript-rebuilt; emitter-appended) ---
"""Pipeline reference for scband-deletion-channel-9680856285943 (READ-ONLY COPY).

The authoritative reference and input builder live on the scoring server;
editing this copy changes nothing except your own understanding.
"""

import jax, jax.numpy as jnp
import numpy as np

P = 0.1
SEED = 42


def setup_inputs(seed: int = 0) -> dict:
    key = jax.random.key(seed)
    k1, k2 = jax.random.split(key)
    message = jax.random.normal(k1, (16, 4096, 64), dtype=jnp.float32)
    message_length = jax.random.randint(k2, (16,), 0, 4096)
    return {"message": message, "message_length": message_length, "apply_noise": 1}


def reference(message, message_length, apply_noise):
    # DeletionChannel.forward with 3D (distribution) message.
    if P == 0.0:
        return message
    B, L, V = message.shape
    # positions strictly before the eos position are deletion candidates
    not_eosed = jnp.arange(L)[None, :] < (message_length - 1)[:, None]
    # bernoulli(p) deletion targets (seeded generator analogue)
    target_ids = jax.random.uniform(jax.random.key(SEED), (B, L)) < P
    delete_ids = jnp.logical_and(target_ids, not_eosed)
    num_deleted = jnp.sum(delete_ids.astype(jnp.int32), axis=1)
    # stable argsort: kept positions (0) come first in original order,
    # deleted positions (1) pushed to the end -> compaction via gather
    order = jnp.argsort(delete_ids.astype(jnp.int32), axis=1)
    gathered = jnp.take_along_axis(message, order[:, :, None], axis=1)
    # pad tail with eos distribution [1, 0, ..., 0]
    eos_probs = jnp.zeros((V,), dtype=message.dtype).at[0].set(1.0)
    num_kept = L - num_deleted
    keep_mask = jnp.arange(L)[None, :] < num_kept[:, None]
    out = jnp.where(keep_mask[:, :, None], gathered, eos_probs[None, None, :])
    return jnp.where(apply_noise != 0, out, message)

if __name__ == "__main__":
    import jax
    _d = setup_inputs()
    print(jax.jit(kernel)(*tuple(_d.values())))

</pallas_src>

<mosaic_0001>
#map = affine_map<(d0, d1) -> (0, 0)>
module attributes {stable_mosaic.version = 14 : i64} {
  func.func @kern(%arg0: i32, %arg1: i32, %arg2: memref<65536x64xf32, #tpu.memory_space<hbm>>, %arg3: memref<16x4096xi32, #tpu.memory_space<hbm>>, %arg4: memref<128x64xf32, #tpu.memory_space<hbm>>, %arg5: memref<65536x64xf32, #tpu.memory_space<hbm>>, %arg6: memref<4096xi32, #tpu.memory_space<vmem>>, %arg7: memref<4096xi32, #tpu.memory_space<vmem>>, %arg8: memref<2x128x64xf32, #tpu.memory_space<vmem>>, %arg9: memref<128x64xf32, #tpu.memory_space<vmem>>, %arg10: memref<!tpu.dma_semaphore, #tpu.memory_space<semaphore_mem>>, %arg11: memref<!tpu.dma_semaphore, #tpu.memory_space<semaphore_mem>>, %arg12: memref<!tpu.dma_semaphore, #tpu.memory_space<semaphore_mem>>) attributes {dimension_semantics = [#tpu.dimension_semantics<core_parallel>, #tpu.dimension_semantics<subcore_parallel>], iteration_bounds = array<i64: 2, 16>, scalar_prefetch = 0 : i64, scratch_operands = 7 : i64, tpu.core_type = #tpu.core_type<sc_vector_subcore>, window_params = [{transform_indices = #map}, {transform_indices = #map}, {transform_indices = #map}, {transform_indices = #map}]} {
    %mul3A = arith.constant 2 : i32
    %mul3A_0 = arith.muli %arg1, %mul3A : i32
    %add3A = arith.addi %mul3A_0, %arg0 : i32
    %jit3A = arith.constant 2 : i32
    %div3A = arith.divsi %add3A, %jit3A : i32
    %sign3A = arith.constant 0 : i32
    %sign3A_1 = arith.cmpi sgt, %add3A, %sign3A : i32
    %sign3A_2 = arith.extui %sign3A_1 : i1 to i32
    %sign3A_3 = arith.constant 0 : i32
    %sign3A_4 = arith.cmpi slt, %add3A, %sign3A_3 : i32
    %sign3A_5 = arith.extui %sign3A_4 : i1 to i32
    %sign3A_6 = arith.subi %sign3A_2, %sign3A_5 : i32
    %sign3A_7 = arith.constant 0 : i32
    %sign3A_8 = arith.cmpi sgt, %jit3A, %sign3A_7 : i32
    %sign3A_9 = arith.extui %sign3A_8 : i1 to i32
    %sign3A_10 = arith.constant 0 : i32
    %sign3A_11 = arith.cmpi slt, %jit3A, %sign3A_10 : i32
    %sign3A_12 = arith.extui %sign3A_11 : i1 to i32
    %sign3A_13 = arith.subi %sign3A_9, %sign3A_12 : i32
    %ne3A = arith.cmpi ne, %sign3A_6, %sign3A_13 : i32
    %rem3A = arith.remsi %add3A, %jit3A : i32
    %ne3A_14 = arith.constant 0 : i32
    %ne3A_15 = arith.cmpi ne, %rem3A, %ne3A_14 : i32
    %and3A = arith.andi %ne3A, %ne3A_15 : i1
    %sub3A = arith.constant 1 : i32
    %sub3A_16 = arith.subi %div3A, %sub3A : i32
    %select_n3A = arith.select %and3A, %sub3A_16, %div3A : i32
    %jit3A_17 = arith.constant 2 : i32
    %eq3A = arith.constant 0 : i32
    %eq3A_18 = arith.cmpi eq, %jit3A_17, %eq3A : i32
    %jit3A_19 = arith.constant 1 : i32
    %select_n3A_20 = arith.select %eq3A_18, %jit3A_19, %jit3A_17 : i32
    %rem3A_21 = arith.remsi %add3A, %select_n3A_20 : i32
    %ne3A_22 = arith.constant 0 : i32
    %ne3A_23 = arith.cmpi ne, %rem3A_21, %ne3A_22 : i32
    %lt3A = arith.constant 0 : i32
    %lt3A_24 = arith.cmpi slt, %rem3A_21, %lt3A : i32
    %lt3A_25 = arith.constant 0 : i32
    %lt3A_26 = arith.cmpi slt, %select_n3A_20, %lt3A_25 : i32
    %ne3A_27 = arith.xori %lt3A_24, %lt3A_26 : i1
    %and3A_28 = arith.andi %ne3A_27, %ne3A_23 : i1
    %add3A_29 = arith.addi %rem3A_21, %select_n3A_20 : i32
    %select_n3A_30 = arith.select %and3A_28, %add3A_29, %rem3A_21 : i32
    %mul3A_31 = arith.constant 4096 : i32
    %mul3A_32 = arith.muli %select_n3A, %mul3A_31 : i32
    "tpu.region"() ({
      %run_scoped3A = tpu.sem_alloc : memref<!tpu.dma_semaphore, #tpu.memory_space<semaphore_mem>>
      %dma_start3A = arith.constant 0 : i32
      %dma_start3A_206 = tpu.memref_slice %arg3[%select_n3A, %dma_start3A] : memref<16x4096xi32, #tpu.memory_space<hbm>> -> memref<1x4096xi32, #tpu.memory_space<hbm>>
      %dma_start3A_207 = tpu.memref_squeeze %dma_start3A_206 : memref<1x4096xi32, #tpu.memory_space<hbm>> -> memref<4096xi32, #tpu.memory_space<hbm>>
      %dma_start3A_208 = arith.constant 0 : i32
      %dma_start3A_209 = tpu.memref_slice %arg3[%select_n3A, %dma_start3A_208] : memref<16x4096xi32, #tpu.memory_space<hbm>> -> memref<1x4096xi32, #tpu.memory_space<hbm>>
      %dma_start3A_210 = tpu.memref_squeeze %dma_start3A_209 : memref<1x4096xi32, #tpu.memory_space<hbm>> -> memref<4096xi32, #tpu.memory_space<hbm>>
      tpu.enqueue_dma source(%dma_start3A_210 : memref<4096xi32, #tpu.memory_space<hbm>>) target(%arg6 : memref<4096xi32, #tpu.memory_space<vmem>>) target_semaphore(%run_scoped3A : memref<!tpu.dma_semaphore, #tpu.memory_space<semaphore_mem>>)
      %dma_wait3A = arith.constant 0 : i32
      %dma_wait3A_211 = tpu.memref_slice %arg3[%select_n3A, %dma_wait3A] : memref<16x4096xi32, #tpu.memory_space<hbm>> -> memref<1x4096xi32, #tpu.memory_space<hbm>>
      %dma_wait3A_212 = tpu.memref_squeeze %dma_wait3A_211 : memref<1x4096xi32, #tpu.memory_space<hbm>> -> memref<4096xi32, #tpu.memory_space<hbm>>
      %dma_wait3A_213 = arith.constant 0 : i32
      %dma_wait3A_214 = tpu.memref_slice %arg3[%select_n3A, %dma_wait3A_213] : memref<16x4096xi32, #tpu.memory_space<hbm>> -> memref<1x4096xi32, #tpu.memory_space<hbm>>
      %dma_wait3A_215 = tpu.memref_squeeze %dma_wait3A_214 : memref<1x4096xi32, #tpu.memory_space<hbm>> -> memref<4096xi32, #tpu.memory_space<hbm>>
      tpu.wait_dma2 semaphore(%run_scoped3A : memref<!tpu.dma_semaphore, #tpu.memory_space<semaphore_mem>>) src(%dma_wait3A_215 : memref<4096xi32, #tpu.memory_space<hbm>>) dst(%arg6 : memref<4096xi32, #tpu.memory_space<vmem>>)
      tpu.yield
    }) : () -> ()
    "tpu.region"() ({
      %run_scoped3A = tpu.sem_alloc : memref<!tpu.dma_semaphore, #tpu.memory_space<semaphore_mem>>
      tpu.enqueue_dma source(%arg4 : memref<128x64xf32, #tpu.memory_space<hbm>>) target(%arg9 : memref<128x64xf32, #tpu.memory_space<vmem>>) target_semaphore(%run_scoped3A : memref<!tpu.dma_semaphore, #tpu.memory_space<semaphore_mem>>)
      tpu.wait_dma2 semaphore(%run_scoped3A : memref<!tpu.dma_semaphore, #tpu.memory_space<semaphore_mem>>) src(%arg4 : memref<128x64xf32, #tpu.memory_space<hbm>>) dst(%arg9 : memref<128x64xf32, #tpu.memory_space<vmem>>)
      tpu.yield
    }) : () -> ()
    %scan3A = arith.constant 0 : i32
    %scan3A_33 = arith.constant 0 : i32
    %scan3A_34 = arith.constant 256 : i32
    %scan3A_35 = arith.addi %scan3A_33, %scan3A_34 : i32
    %scan3A_36 = arith.constant 1 : i32
    scf.for %scan3A_206 = %scan3A_33 to %scan3A_35 step %scan3A_36  : i32 {
      %broadcast_in_dim3A_207 = vector.broadcast %mul3A_32 : i32 to vector<16xi32>
      %mul3A_208 = arith.constant 16 : i32
      %mul3A_209 = arith.muli %scan3A_206, %mul3A_208 : i32
      %swap3A = arith.index_cast %mul3A_209 : i32 to index
      %swap3A_210 = tpu.vector_load %arg7[%swap3A] {strides = array<i32>} : memref<4096xi32, #tpu.memory_space<vmem>>, vector<16xi32>,
      tpu.vector_store %arg7[%swap3A], %broadcast_in_dim3A_207 {strides = array<i32>} : memref<4096xi32, #tpu.memory_space<vmem>>, vector<16xi32>,
    }
    %scan3A_37 = arith.constant 256 : i32
    %scan3A_38 = arith.constant 0 : i32
    %scan3A_39 = arith.constant 0 : i32
    %scan3A_40 = arith.constant 256 : i32
    %scan3A_41 = arith.addi %scan3A_39, %scan3A_40 : i32
    %scan3A_42 = arith.constant 1 : i32
    %scan3A_43 = scf.for %scan3A_206 = %scan3A_39 to %scan3A_41 step %scan3A_42 iter_args(%scan3A_207 = %scan3A_38) -> (i32)  : i32 {
      %mul3A_208 = arith.constant 16 : i32
      %mul3A_209 = arith.muli %scan3A_206, %mul3A_208 : i32
      %get3A = arith.index_cast %mul3A_209 : i32 to index
      %get3A_210 = tpu.vector_load %arg6[%get3A] {strides = array<i32>} : memref<4096xi32, #tpu.memory_space<vmem>>, vector<16xi32>,
      %cumsum3A = arith.constant true
      %cumsum3A_211 = vector.broadcast %cumsum3A : i1 to vector<16xi1>
      %cumsum3A_212 = tpu.scan <sum>, %get3A_210 masked %cumsum3A_211 : vector<16xi32>, vector<16xi1> -> vector<16xi32>
      %sub3A_213 = arith.constant 1 : i32
      %sub3A_214 = arith.subi %scan3A_207, %sub3A_213 : i32
      %add3A_215 = vector.broadcast %sub3A_214 : i32 to vector<16xi32>
      %add3A_216 = arith.addi %cumsum3A_212, %add3A_215 : vector<16xi32>
      %mul3A_217 = arith.constant 16 : i32
      %mul3A_218 = arith.muli %scan3A_206, %mul3A_217 : i32
      %add3A_219 = arith.addi %mul3A_32, %mul3A_218 : i32
      %iota3A_220 = tpu.iota {dimensions = array<i32: 0>} : vector<16xi32>
      %add3A_221 = vector.broadcast %add3A_219 : i32 to vector<16xi32>
      %add3A_222 = arith.addi %add3A_221, %iota3A_220 : vector<16xi32>
      %gt3A_223 = arith.constant 0 : i32
      %gt3A_224 = vector.broadcast %gt3A_223 : i32 to vector<16xi32>
      %gt3A_225 = arith.cmpi sgt, %get3A_210, %gt3A_224 : vector<16xi32>
      tpu.vector_store_idx %arg7[%add3A_216], %add3A_222 masked %gt3A_225 : memref<4096xi32, #tpu.memory_space<vmem>>[vector<16xi32>], vector<16xi32>, vector<16xi1>
      %reduce_max3A = arith.constant true
      %reduce_max3A_226 = vector.broadcast %reduce_max3A : i1 to vector<16xi1>
      %reduce_max3A_227 = arith.constant -2147483648 : i32
      %reduce_max3A_228 = vector.broadcast %reduce_max3A_227 : i32 to vector<16xi32>
      %reduce_max3A_229 = arith.xori %cumsum3A_212, %reduce_max3A_228 : vector<16xi32>
      %reduce_max3A_230 = tpu.scan <max>, %reduce_max3A_229 masked %reduce_max3A_226 : vector<16xi32>, vector<16xi1> -> vector<16xi32>
      %reduce_max3A_231 = arith.xori %reduce_max3A_230, %reduce_max3A_228 : vector<16xi32>
      %reduce_max3A_232 = vector.extract %reduce_max3A_231[15] : i32 from vector<16xi32>
      %add3A_233 = arith.addi %scan3A_207, %reduce_max3A_232 : i32
      scf.yield %add3A_233 : i32
    }
    %scan3A_44 = arith.constant 256 : i32
    %jit3A_45 = arith.constant 128 : i32
    %div3A_46 = arith.divsi %scan3A_43, %jit3A_45 : i32
    %sign3A_47 = arith.constant 0 : i32
    %sign3A_48 = arith.cmpi sgt, %scan3A_43, %sign3A_47 : i32
    %sign3A_49 = arith.extui %sign3A_48 : i1 to i32
    %sign3A_50 = arith.constant 0 : i32
    %sign3A_51 = arith.cmpi slt, %scan3A_43, %sign3A_50 : i32
    %sign3A_52 = arith.extui %sign3A_51 : i1 to i32
    %sign3A_53 = arith.subi %sign3A_49, %sign3A_52 : i32
    %sign3A_54 = arith.constant 0 : i32
    %sign3A_55 = arith.cmpi sgt, %jit3A_45, %sign3A_54 : i32
    %sign3A_56 = arith.extui %sign3A_55 : i1 to i32
    %sign3A_57 = arith.constant 0 : i32
    %sign3A_58 = arith.cmpi slt, %jit3A_45, %sign3A_57 : i32
    %sign3A_59 = arith.extui %sign3A_58 : i1 to i32
    %sign3A_60 = arith.subi %sign3A_56, %sign3A_59 : i32
    %ne3A_61 = arith.cmpi ne, %sign3A_53, %sign3A_60 : i32
    %rem3A_62 = arith.remsi %scan3A_43, %jit3A_45 : i32
    %ne3A_63 = arith.constant 0 : i32
    %ne3A_64 = arith.cmpi ne, %rem3A_62, %ne3A_63 : i32
    %and3A_65 = arith.andi %ne3A_61, %ne3A_64 : i1
    %sub3A_66 = arith.constant 1 : i32
    %sub3A_67 = arith.subi %div3A_46, %sub3A_66 : i32
    %select_n3A_68 = arith.select %and3A_65, %sub3A_67, %div3A_46 : i32
    %sub3A_69 = arith.subi %select_n3A_68, %select_n3A_30 : i32
    %add3A_70 = arith.constant 1 : i32
    %add3A_71 = arith.addi %sub3A_69, %add3A_70 : i32
    %jit3A_72 = arith.constant 2 : i32
    %div3A_73 = arith.divsi %add3A_71, %jit3A_72 : i32
    %sign3A_74 = arith.constant 0 : i32
    %sign3A_75 = arith.cmpi sgt, %add3A_71, %sign3A_74 : i32
    %sign3A_76 = arith.extui %sign3A_75 : i1 to i32
    %sign3A_77 = arith.constant 0 : i32
    %sign3A_78 = arith.cmpi slt, %add3A_71, %sign3A_77 : i32
    %sign3A_79 = arith.extui %sign3A_78 : i1 to i32
    %sign3A_80 = arith.subi %sign3A_76, %sign3A_79 : i32
    %sign3A_81 = arith.constant 0 : i32
    %sign3A_82 = arith.cmpi sgt, %jit3A_72, %sign3A_81 : i32
    %sign3A_83 = arith.extui %sign3A_82 : i1 to i32
    %sign3A_84 = arith.constant 0 : i32
    %sign3A_85 = arith.cmpi slt, %jit3A_72, %sign3A_84 : i32
    %sign3A_86 = arith.extui %sign3A_85 : i1 to i32
    %sign3A_87 = arith.subi %sign3A_83, %sign3A_86 : i32
    %ne3A_88 = arith.cmpi ne, %sign3A_80, %sign3A_87 : i32
    %rem3A_89 = arith.remsi %add3A_71, %jit3A_72 : i32
    %ne3A_90 = arith.constant 0 : i32
    %ne3A_91 = arith.cmpi ne, %rem3A_89, %ne3A_90 : i32
    %and3A_92 = arith.andi %ne3A_88, %ne3A_91 : i1
    %sub3A_93 = arith.constant 1 : i32
    %sub3A_94 = arith.subi %div3A_73, %sub3A_93 : i32
    %select_n3A_95 = arith.select %and3A_92, %sub3A_94, %div3A_73 : i32
    %while3A = arith.constant 0 : i32
    %while3A_96 = arith.constant 0 : i32
    %while3A_97 = arith.subi %select_n3A_95, %while3A_96 : i32
    %while3A_98 = arith.addi %while3A_96, %while3A_97 : i32
    %while3A_99 = arith.constant 1 : i32
    %while3A_100 = arith.divsi %while3A_97, %while3A_99 : i32
    %while3A_101 = arith.muli %while3A_100, %while3A_99 : i32
    %while3A_102 = arith.addi %while3A_96, %while3A_101 : i32
    %while3A_103 = arith.constant 1 : i32
    scf.for %while3A_206 = %while3A_96 to %while3A_102 step %while3A_103  : i32 {
      %mul3A_207 = arith.constant 2 : i32
      %mul3A_208 = arith.muli %mul3A_207, %while3A_206 : i32
      %add3A_209 = arith.addi %select_n3A_30, %mul3A_208 : i32
      %jit3A_210 = arith.constant 2 : i32
      %eq3A_211 = arith.constant 0 : i32
      %eq3A_212 = arith.cmpi eq, %jit3A_210, %eq3A_211 : i32
      %jit3A_213 = arith.constant 1 : i32
      %select_n3A_214 = arith.select %eq3A_212, %jit3A_213, %jit3A_210 : i32
      %rem3A_215 = arith.remsi %while3A_206, %select_n3A_214 : i32
      %ne3A_216 = arith.constant 0 : i32
      %ne3A_217 = arith.cmpi ne, %rem3A_215, %ne3A_216 : i32
      %lt3A_218 = arith.constant 0 : i32
      %lt3A_219 = arith.cmpi slt, %rem3A_215, %lt3A_218 : i32
      %lt3A_220 = arith.constant 0 : i32
      %lt3A_221 = arith.cmpi slt, %select_n3A_214, %lt3A_220 : i32
      %ne3A_222 = arith.xori %lt3A_219, %lt3A_221 : i1
      %and3A_223 = arith.andi %ne3A_222, %ne3A_217 : i1
      %add3A_224 = arith.addi %rem3A_215, %select_n3A_214 : i32
      %select_n3A_225 = arith.select %and3A_223, %add3A_224, %rem3A_215 : i32
      %ge3A_226 = arith.constant 2 : i32
      %ge3A_227 = arith.cmpi sge, %while3A_206, %ge3A_226 : i32
      %convert_element_type3A_228 = arith.extui %ge3A_227 : i1 to i32
      %cond3A_229 = arith.constant 0 : i32
      %cond3A_230 = arith.cmpi ne, %convert_element_type3A_228, %cond3A_229 : i32
      scf.if %cond3A_230 {
        %eq3A_246 = arith.constant 0 : i32
        %eq3A_247 = arith.cmpi eq, %select_n3A_225, %eq3A_246 : i32
        %convert_element_type3A_248 = arith.extui %eq3A_247 : i1 to i32
        %cond3A_249 = arith.constant 0 : i32
        %cond3A_250 = arith.cmpi ne, %convert_element_type3A_248, %cond3A_249 : i32
        scf.if %cond3A_250 {
          %dma_wait3A = arith.constant 0 : i32
          %dma_wait3A_256 = arith.constant 0 : i32
          %dma_wait3A_257 = arith.constant 0 : i32
          %dma_wait3A_258 = tpu.memref_slice %arg8[%dma_wait3A, %dma_wait3A_256, %dma_wait3A_257] : memref<2x128x64xf32, #tpu.memory_space<vmem>> -> memref<1x128x64xf32, #tpu.memory_space<vmem>>
          %dma_wait3A_259 = tpu.memref_squeeze %dma_wait3A_258 : memref<1x128x64xf32, #tpu.memory_space<vmem>> -> memref<128x64xf32, #tpu.memory_space<vmem>>
          %dma_wait3A_260 = arith.constant 0 : i32
          %dma_wait3A_261 = tpu.memref_slice %arg5[%mul3A_32, %dma_wait3A_260] : memref<65536x64xf32, #tpu.memory_space<hbm>> -> memref<128x64xf32, #tpu.memory_space<hbm>>
          %dma_wait3A_262 = arith.constant 0 : i32
          %dma_wait3A_263 = tpu.memref_slice %arg5[%mul3A_32, %dma_wait3A_262] : memref<65536x64xf32, #tpu.memory_space<hbm>> -> memref<128x64xf32, #tpu.memory_space<hbm>>
          %dma_wait3A_264 = arith.constant 0 : i32
          %dma_wait3A_265 = arith.constant 0 : i32
          %dma_wait3A_266 = tpu.memref_slice %arg8[%dma_wait3A, %dma_wait3A_264, %dma_wait3A_265] : memref<2x128x64xf32, #tpu.memory_space<vmem>> -> memref<1x128x64xf32, #tpu.memory_space<vmem>>
          %dma_wait3A_267 = tpu.memref_squeeze %dma_wait3A_266 : memref<1x128x64xf32, #tpu.memory_space<vmem>> -> memref<128x64xf32, #tpu.memory_space<vmem>>
          tpu.wait_dma2 semaphore(%arg11 : memref<!tpu.dma_semaphore, #tpu.memory_space<semaphore_mem>>) src(%dma_wait3A_267 : memref<128x64xf32, #tpu.memory_space<vmem>>) dst(%dma_wait3A_263 : memref<128x64xf32, #tpu.memory_space<hbm>>)
        } else {
        }
        %eq3A_251 = arith.constant 1 : i32
        %eq3A_252 = arith.cmpi eq, %select_n3A_225, %eq3A_251 : i32
        %convert_element_type3A_253 = arith.extui %eq3A_252 : i1 to i32
        %cond3A_254 = arith.constant 0 : i32
        %cond3A_255 = arith.cmpi ne, %convert_element_type3A_253, %cond3A_254 : i32
        scf.if %cond3A_255 {
          %dma_wait3A = arith.constant 1 : i32
          %dma_wait3A_256 = arith.constant 0 : i32
          %dma_wait3A_257 = arith.constant 0 : i32
          %dma_wait3A_258 = tpu.memref_slice %arg8[%dma_wait3A, %dma_wait3A_256, %dma_wait3A_257] : memref<2x128x64xf32, #tpu.memory_space<vmem>> -> memref<1x128x64xf32, #tpu.memory_space<vmem>>
          %dma_wait3A_259 = tpu.memref_squeeze %dma_wait3A_258 : memref<1x128x64xf32, #tpu.memory_space<vmem>> -> memref<128x64xf32, #tpu.memory_space<vmem>>
          %dma_wait3A_260 = arith.constant 0 : i32
          %dma_wait3A_261 = tpu.memref_slice %arg5[%mul3A_32, %dma_wait3A_260] : memref<65536x64xf32, #tpu.memory_space<hbm>> -> memref<128x64xf32, #tpu.memory_space<hbm>>
          %dma_wait3A_262 = arith.constant 0 : i32
          %dma_wait3A_263 = tpu.memref_slice %arg5[%mul3A_32, %dma_wait3A_262] : memref<65536x64xf32, #tpu.memory_space<hbm>> -> memref<128x64xf32, #tpu.memory_space<hbm>>
          %dma_wait3A_264 = arith.constant 0 : i32
          %dma_wait3A_265 = arith.constant 0 : i32
          %dma_wait3A_266 = tpu.memref_slice %arg8[%dma_wait3A, %dma_wait3A_264, %dma_wait3A_265] : memref<2x128x64xf32, #tpu.memory_space<vmem>> -> memref<1x128x64xf32, #tpu.memory_space<vmem>>
          %dma_wait3A_267 = tpu.memref_squeeze %dma_wait3A_266 : memref<1x128x64xf32, #tpu.memory_space<vmem>> -> memref<128x64xf32, #tpu.memory_space<vmem>>
          tpu.wait_dma2 semaphore(%arg12 : memref<!tpu.dma_semaphore, #tpu.memory_space<semaphore_mem>>) src(%dma_wait3A_267 : memref<128x64xf32, #tpu.memory_space<vmem>>) dst(%dma_wait3A_263 : memref<128x64xf32, #tpu.memory_space<hbm>>)
        } else {
        }
      } else {
      }
      %mul3A_231 = arith.constant 128 : i32
      %mul3A_232 = arith.muli %add3A_209, %mul3A_231 : i32
      %mul3A_233 = arith.constant 128 : i32
      %mul3A_234 = arith.muli %add3A_209, %mul3A_233 : i32
      %add3A_235 = arith.addi %mul3A_32, %mul3A_234 : i32
      %eq3A_236 = arith.constant 0 : i32
      %eq3A_237 = arith.cmpi eq, %select_n3A_225, %eq3A_236 : i32
      %convert_element_type3A_238 = arith.extui %eq3A_237 : i1 to i32
      %cond3A_239 = arith.constant 0 : i32
      %cond3A_240 = arith.cmpi ne, %convert_element_type3A_238, %cond3A_239 : i32
      scf.if %cond3A_240 {
        %dma_start3A = arith.constant 0 : i32
        %dma_start3A_246 = arith.constant 0 : i32
        %dma_start3A_247 = arith.constant 0 : i32
        %dma_start3A_248 = tpu.memref_slice %arg8[%dma_start3A, %dma_start3A_246, %dma_start3A_247] : memref<2x128x64xf32, #tpu.memory_space<vmem>> -> memref<1x128x64xf32, #tpu.memory_space<vmem>>
        %dma_start3A_249 = tpu.memref_squeeze %dma_start3A_248 : memref<1x128x64xf32, #tpu.memory_space<vmem>> -> memref<128x64xf32, #tpu.memory_space<vmem>>
        %dma_start3A_250 = tpu.memref_slice %arg7[%mul3A_232] : memref<4096xi32, #tpu.memory_space<vmem>> -> memref<128xi32, #tpu.memory_space<vmem>>
        %dma_start3A_251 = arith.constant 0 : i32
        %dma_start3A_252 = arith.constant 0 : i32
        %dma_start3A_253 = tpu.memref_slice %arg2[%dma_start3A_251, %dma_start3A_252] : memref<65536x64xf32, #tpu.memory_space<hbm>> -> memref<65536x64xf32, #tpu.memory_space<hbm>>
        tpu.enqueue_indirect_dma source(%dma_start3A_253 : memref<65536x64xf32, #tpu.memory_space<hbm>>) target(%dma_start3A_249 : memref<128x64xf32, #tpu.memory_space<vmem>>) offsets(%dma_start3A_250 : memref<128xi32, #tpu.memory_space<vmem>>) semaphore(%arg10 : memref<!tpu.dma_semaphore, #tpu.memory_space<semaphore_mem>>)
        %dma_wait3A = arith.constant 0 : i32
        %dma_wait3A_254 = arith.constant 0 : i32
        %dma_wait3A_255 = arith.constant 0 : i32
        %dma_wait3A_256 = tpu.memref_slice %arg8[%dma_wait3A, %dma_wait3A_254, %dma_wait3A_255] : memref<2x128x64xf32, #tpu.memory_space<vmem>> -> memref<1x128x64xf32, #tpu.memory_space<vmem>>
        %dma_wait3A_257 = tpu.memref_squeeze %dma_wait3A_256 : memref<1x128x64xf32, #tpu.memory_space<vmem>> -> memref<128x64xf32, #tpu.memory_space<vmem>>
        %dma_wait3A_258 = tpu.memref_slice %arg7[%mul3A_232] : memref<4096xi32, #tpu.memory_space<vmem>> -> memref<128xi32, #tpu.memory_space<vmem>>
        %dma_wait3A_259 = arith.constant 0 : i32
        %dma_wait3A_260 = arith.constant 0 : i32
        %dma_wait3A_261 = tpu.memref_slice %arg2[%dma_wait3A_259, %dma_wait3A_260] : memref<65536x64xf32, #tpu.memory_space<hbm>> -> memref<65536x64xf32, #tpu.memory_space<hbm>>
        tpu.wait_indirect_dma semaphore(%arg10 : memref<!tpu.dma_semaphore, #tpu.memory_space<semaphore_mem>>) src(%dma_wait3A_261 : memref<65536x64xf32, #tpu.memory_space<hbm>>) dst(%dma_wait3A_257 : memref<128x64xf32, #tpu.memory_space<vmem>>)
        %dma_start3A_262 = arith.constant 0 : i32
        %dma_start3A_263 = arith.constant 0 : i32
        %dma_start3A_264 = arith.constant 0 : i32
        %dma_start3A_265 = tpu.memref_slice %arg8[%dma_start3A_262, %dma_start3A_263, %dma_start3A_264] : memref<2x128x64xf32, #tpu.memory_space<vmem>> -> memref<1x128x64xf32, #tpu.memory_space<vmem>>
        %dma_start3A_266 = tpu.memref_squeeze %dma_start3A_265 : memref<1x128x64xf32, #tpu.memory_space<vmem>> -> memref<128x64xf32, #tpu.memory_space<vmem>>
        %dma_start3A_267 = arith.constant 0 : i32
        %dma_start3A_268 = tpu.memref_slice %arg5[%add3A_235, %dma_start3A_267] : memref<65536x64xf32, #tpu.memory_space<hbm>> -> memref<128x64xf32, #tpu.memory_space<hbm>>
        %dma_start3A_269 = arith.constant 0 : i32
        %dma_start3A_270 = tpu.memref_slice %arg5[%add3A_235, %dma_start3A_269] : memref<65536x64xf32, #tpu.memory_space<hbm>> -> memref<128x64xf32, #tpu.memory_space<hbm>>
        %dma_start3A_271 = arith.constant 0 : i32
        %dma_start3A_272 = arith.constant 0 : i32
        %dma_start3A_273 = tpu.memref_slice %arg8[%dma_start3A_262, %dma_start3A_271, %dma_start3A_272] : memref<2x128x64xf32, #tpu.memory_space<vmem>> -> memref<1x128x64xf32, #tpu.memory_space<vmem>>
        %dma_start3A_274 = tpu.memref_squeeze %dma_start3A_273 : memref<1x128x64xf32, #tpu.memory_space<vmem>> -> memref<128x64xf32, #tpu.memory_space<vmem>>
        tpu.enqueue_dma source(%dma_start3A_274 : memref<128x64xf32, #tpu.memory_space<vmem>>) target(%dma_start3A_270 : memref<128x64xf32, #tpu.memory_space<hbm>>) target_semaphore(%arg11 : memref<!tpu.dma_semaphore, #tpu.memory_space<semaphore_mem>>)
      } else {
      }
      %eq3A_241 = arith.constant 1 : i32
      %eq3A_242 = arith.cmpi eq, %select_n3A_225, %eq3A_241 : i32
      %convert_element_type3A_243 = arith.extui %eq3A_242 : i1 to i32
      %cond3A_244 = arith.constant 0 : i32
      %cond3A_245 = arith.cmpi ne, %convert_element_type3A_243, %cond3A_244 : i32
      scf.if %cond3A_245 {
        %dma_start3A = arith.constant 1 : i32
        %dma_start3A_246 = arith.constant 0 : i32
        %dma_start3A_247 = arith.constant 0 : i32
        %dma_start3A_248 = tpu.memref_slice %arg8[%dma_start3A, %dma_start3A_246, %dma_start3A_247] : memref<2x128x64xf32, #tpu.memory_space<vmem>> -> memref<1x128x64xf32, #tpu.memory_space<vmem>>
        %dma_start3A_249 = tpu.memref_squeeze %dma_start3A_248 : memref<1x128x64xf32, #tpu.memory_space<vmem>> -> memref<128x64xf32, #tpu.memory_space<vmem>>
        %dma_start3A_250 = tpu.memref_slice %arg7[%mul3A_232] : memref<4096xi32, #tpu.memory_space<vmem>> -> memref<128xi32, #tpu.memory_space<vmem>>
        %dma_start3A_251 = arith.constant 0 : i32
        %dma_start3A_252 = arith.constant 0 : i32
        %dma_start3A_253 = tpu.memref_slice %arg2[%dma_start3A_251, %dma_start3A_252] : memref<65536x64xf32, #tpu.memory_space<hbm>> -> memref<65536x64xf32, #tpu.memory_space<hbm>>
        tpu.enqueue_indirect_dma source(%dma_start3A_253 : memref<65536x64xf32, #tpu.memory_space<hbm>>) target(%dma_start3A_249 : memref<128x64xf32, #tpu.memory_space<vmem>>) offsets(%dma_start3A_250 : memref<128xi32, #tpu.memory_space<vmem>>) semaphore(%arg10 : memref<!tpu.dma_semaphore, #tpu.memory_space<semaphore_mem>>)
        %dma_wait3A = arith.constant 1 : i32
        %dma_wait3A_254 = arith.constant 0 : i32
        %dma_wait3A_255 = arith.constant 0 : i32
        %dma_wait3A_256 = tpu.memref_slice %arg8[%dma_wait3A, %dma_wait3A_254, %dma_wait3A_255] : memref<2x128x64xf32, #tpu.memory_space<vmem>> -> memref<1x128x64xf32, #tpu.memory_space<vmem>>
        %dma_wait3A_257 = tpu.memref_squeeze %dma_wait3A_256 : memref<1x128x64xf32, #tpu.memory_space<vmem>> -> memref<128x64xf32, #tpu.memory_space<vmem>>
        %dma_wait3A_258 = tpu.memref_slice %arg7[%mul3A_232] : memref<4096xi32, #tpu.memory_space<vmem>> -> memref<128xi32, #tpu.memory_space<vmem>>
        %dma_wait3A_259 = arith.constant 0 : i32
        %dma_wait3A_260 = arith.constant 0 : i32
        %dma_wait3A_261 = tpu.memref_slice %arg2[%dma_wait3A_259, %dma_wait3A_260] : memref<65536x64xf32, #tpu.memory_space<hbm>> -> memref<65536x64xf32, #tpu.memory_space<hbm>>
        tpu.wait_indirect_dma semaphore(%arg10 : memref<!tpu.dma_semaphore, #tpu.memory_space<semaphore_mem>>) src(%dma_wait3A_261 : memref<65536x64xf32, #tpu.memory_space<hbm>>) dst(%dma_wait3A_257 : memref<128x64xf32, #tpu.memory_space<vmem>>)
        %dma_start3A_262 = arith.constant 1 : i32
        %dma_start3A_263 = arith.constant 0 : i32
        %dma_start3A_264 = arith.constant 0 : i32
        %dma_start3A_265 = tpu.memref_slice %arg8[%dma_start3A_262, %dma_start3A_263, %dma_start3A_264] : memref<2x128x64xf32, #tpu.memory_space<vmem>> -> memref<1x128x64xf32, #tpu.memory_space<vmem>>
        %dma_start3A_266 = tpu.memref_squeeze %dma_start3A_265 : memref<1x128x64xf32, #tpu.memory_space<vmem>> -> memref<128x64xf32, #tpu.memory_space<vmem>>
        %dma_start3A_267 = arith.constant 0 : i32
        %dma_start3A_268 = tpu.memref_slice %arg5[%add3A_235, %dma_start3A_267] : memref<65536x64xf32, #tpu.memory_space<hbm>> -> memref<128x64xf32, #tpu.memory_space<hbm>>
        %dma_start3A_269 = arith.constant 0 : i32
        %dma_start3A_270 = tpu.memref_slice %arg5[%add3A_235, %dma_start3A_269] : memref<65536x64xf32, #tpu.memory_space<hbm>> -> memref<128x64xf32, #tpu.memory_space<hbm>>
        %dma_start3A_271 = arith.constant 0 : i32
        %dma_start3A_272 = arith.constant 0 : i32
        %dma_start3A_273 = tpu.memref_slice %arg8[%dma_start3A_262, %dma_start3A_271, %dma_start3A_272] : memref<2x128x64xf32, #tpu.memory_space<vmem>> -> memref<1x128x64xf32, #tpu.memory_space<vmem>>
        %dma_start3A_274 = tpu.memref_squeeze %dma_start3A_273 : memref<1x128x64xf32, #tpu.memory_space<vmem>> -> memref<128x64xf32, #tpu.memory_space<vmem>>
        tpu.enqueue_dma source(%dma_start3A_274 : memref<128x64xf32, #tpu.memory_space<vmem>>) target(%dma_start3A_270 : memref<128x64xf32, #tpu.memory_space<hbm>>) target_semaphore(%arg12 : memref<!tpu.dma_semaphore, #tpu.memory_space<semaphore_mem>>)
      } else {
      }
    }
    %while3A_104 = arith.constant 1 : i32
    scf.for %while3A_206 = %while3A_102 to %while3A_98 step %while3A_104  : i32 {
      %mul3A_207 = arith.constant 2 : i32
      %mul3A_208 = arith.muli %mul3A_207, %while3A_206 : i32
      %add3A_209 = arith.addi %select_n3A_30, %mul3A_208 : i32
      %jit3A_210 = arith.constant 2 : i32
      %eq3A_211 = arith.constant 0 : i32
      %eq3A_212 = arith.cmpi eq, %jit3A_210, %eq3A_211 : i32
      %jit3A_213 = arith.constant 1 : i32
      %select_n3A_214 = arith.select %eq3A_212, %jit3A_213, %jit3A_210 : i32
      %rem3A_215 = arith.remsi %while3A_206, %select_n3A_214 : i32
      %ne3A_216 = arith.constant 0 : i32
      %ne3A_217 = arith.cmpi ne, %rem3A_215, %ne3A_216 : i32
      %lt3A_218 = arith.constant 0 : i32
      %lt3A_219 = arith.cmpi slt, %rem3A_215, %lt3A_218 : i32
      %lt3A_220 = arith.constant 0 : i32
      %lt3A_221 = arith.cmpi slt, %select_n3A_214, %lt3A_220 : i32
      %ne3A_222 = arith.xori %lt3A_219, %lt3A_221 : i1
      %and3A_223 = arith.andi %ne3A_222, %ne3A_217 : i1
      %add3A_224 = arith.addi %rem3A_215, %select_n3A_214 : i32
      %select_n3A_225 = arith.select %and3A_223, %add3A_224, %rem3A_215 : i32
      %ge3A_226 = arith.constant 2 : i32
      %ge3A_227 = arith.cmpi sge, %while3A_206, %ge3A_226 : i32
      %convert_element_type3A_228 = arith.extui %ge3A_227 : i1 to i32
      %cond3A_229 = arith.constant 0 : i32
      %cond3A_230 = arith.cmpi ne, %convert_element_type3A_228, %cond3A_229 : i32
      scf.if %cond3A_230 {
        %eq3A_246 = arith.constant 0 : i32
        %eq3A_247 = arith.cmpi eq, %select_n3A_225, %eq3A_246 : i32
        %convert_element_type3A_248 = arith.extui %eq3A_247 : i1 to i32
        %cond3A_249 = arith.constant 0 : i32
        %cond3A_250 = arith.cmpi ne, %convert_element_type3A_248, %cond3A_249 : i32
        scf.if %cond3A_250 {
          %dma_wait3A = arith.constant 0 : i32
          %dma_wait3A_256 = arith.constant 0 : i32
          %dma_wait3A_257 = arith.constant 0 : i32
          %dma_wait3A_258 = tpu.memref_slice %arg8[%dma_wait3A, %dma_wait3A_256, %dma_wait3A_257] : memref<2x128x64xf32, #tpu.memory_space<vmem>> -> memref<1x128x64xf32, #tpu.memory_space<vmem>>
          %dma_wait3A_259 = tpu.memref_squeeze %dma_wait3A_258 : memref<1x128x64xf32, #tpu.memory_space<vmem>> -> memref<128x64xf32, #tpu.memory_space<vmem>>
          %dma_wait3A_260 = arith.constant 0 : i32
          %dma_wait3A_261 = tpu.memref_slice %arg5[%mul3A_32, %dma_wait3A_260] : memref<65536x64xf32, #tpu.memory_space<hbm>> -> memref<128x64xf32, #tpu.memory_space<hbm>>
          %dma_wait3A_262 = arith.constant 0 : i32
          %dma_wait3A_263 = tpu.memref_slice %arg5[%mul3A_32, %dma_wait3A_262] : memref<65536x64xf32, #tpu.memory_space<hbm>> -> memref<128x64xf32, #tpu.memory_space<hbm>>
          %dma_wait3A_264 = arith.constant 0 : i32
          %dma_wait3A_265 = arith.constant 0 : i32
          %dma_wait3A_266 = tpu.memref_slice %arg8[%dma_wait3A, %dma_wait3A_264, %dma_wait3A_265] : memref<2x128x64xf32, #tpu.memory_space<vmem>> -> memref<1x128x64xf32, #tpu.memory_space<vmem>>
          %dma_wait3A_267 = tpu.memref_squeeze %dma_wait3A_266 : memref<1x128x64xf32, #tpu.memory_space<vmem>> -> memref<128x64xf32, #tpu.memory_space<vmem>>
          tpu.wait_dma2 semaphore(%arg11 : memref<!tpu.dma_semaphore, #tpu.memory_space<semaphore_mem>>) src(%dma_wait3A_267 : memref<128x64xf32, #tpu.memory_space<vmem>>) dst(%dma_wait3A_263 : memref<128x64xf32, #tpu.memory_space<hbm>>)
        } else {
        }
        %eq3A_251 = arith.constant 1 : i32
        %eq3A_252 = arith.cmpi eq, %select_n3A_225, %eq3A_251 : i32
        %convert_element_type3A_253 = arith.extui %eq3A_252 : i1 to i32
        %cond3A_254 = arith.constant 0 : i32
        %cond3A_255 = arith.cmpi ne, %convert_element_type3A_253, %cond3A_254 : i32
        scf.if %cond3A_255 {
          %dma_wait3A = arith.constant 1 : i32
          %dma_wait3A_256 = arith.constant 0 : i32
          %dma_wait3A_257 = arith.constant 0 : i32
          %dma_wait3A_258 = tpu.memref_slice %arg8[%dma_wait3A, %dma_wait3A_256, %dma_wait3A_257] : memref<2x128x64xf32, #tpu.memory_space<vmem>> -> memref<1x128x64xf32, #tpu.memory_space<vmem>>
          %dma_wait3A_259 = tpu.memref_squeeze %dma_wait3A_258 : memref<1x128x64xf32, #tpu.memory_space<vmem>> -> memref<128x64xf32, #tpu.memory_space<vmem>>
          %dma_wait3A_260 = arith.constant 0 : i32
          %dma_wait3A_261 = tpu.memref_slice %arg5[%mul3A_32, %dma_wait3A_260] : memref<65536x64xf32, #tpu.memory_space<hbm>> -> memref<128x64xf32, #tpu.memory_space<hbm>>
          %dma_wait3A_262 = arith.constant 0 : i32
          %dma_wait3A_263 = tpu.memref_slice %arg5[%mul3A_32, %dma_wait3A_262] : memref<65536x64xf32, #tpu.memory_space<hbm>> -> memref<128x64xf32, #tpu.memory_space<hbm>>
          %dma_wait3A_264 = arith.constant 0 : i32
          %dma_wait3A_265 = arith.constant 0 : i32
          %dma_wait3A_266 = tpu.memref_slice %arg8[%dma_wait3A, %dma_wait3A_264, %dma_wait3A_265] : memref<2x128x64xf32, #tpu.memory_space<vmem>> -> memref<1x128x64xf32, #tpu.memory_space<vmem>>
          %dma_wait3A_267 = tpu.memref_squeeze %dma_wait3A_266 : memref<1x128x64xf32, #tpu.memory_space<vmem>> -> memref<128x64xf32, #tpu.memory_space<vmem>>
          tpu.wait_dma2 semaphore(%arg12 : memref<!tpu.dma_semaphore, #tpu.memory_space<semaphore_mem>>) src(%dma_wait3A_267 : memref<128x64xf32, #tpu.memory_space<vmem>>) dst(%dma_wait3A_263 : memref<128x64xf32, #tpu.memory_space<hbm>>)
        } else {
        }
      } else {
      }
      %mul3A_231 = arith.constant 128 : i32
      %mul3A_232 = arith.muli %add3A_209, %mul3A_231 : i32
      %mul3A_233 = arith.constant 128 : i32
      %mul3A_234 = arith.muli %add3A_209, %mul3A_233 : i32
      %add3A_235 = arith.addi %mul3A_32, %mul3A_234 : i32
      %eq3A_236 = arith.constant 0 : i32
      %eq3A_237 = arith.cmpi eq, %select_n3A_225, %eq3A_236 : i32
      %convert_element_type3A_238 = arith.extui %eq3A_237 : i1 to i32
      %cond3A_239 = arith.constant 0 : i32
      %cond3A_240 = arith.cmpi ne, %convert_element_type3A_238, %cond3A_239 : i32
      scf.if %cond3A_240 {
        %dma_start3A = arith.constant 0 : i32
        %dma_start3A_246 = arith.constant 0 : i32
        %dma_start3A_247 = arith.constant 0 : i32
        %dma_start3A_248 = tpu.memref_slice %arg8[%dma_start3A, %dma_start3A_246, %dma_start3A_247] : memref<2x128x64xf32, #tpu.memory_space<vmem>> -> memref<1x128x64xf32, #tpu.memory_space<vmem>>
        %dma_start3A_249 = tpu.memref_squeeze %dma_start3A_248 : memref<1x128x64xf32, #tpu.memory_space<vmem>> -> memref<128x64xf32, #tpu.memory_space<vmem>>
        %dma_start3A_250 = tpu.memref_slice %arg7[%mul3A_232] : memref<4096xi32, #tpu.memory_space<vmem>> -> memref<128xi32, #tpu.memory_space<vmem>>
        %dma_start3A_251 = arith.constant 0 : i32
        %dma_start3A_252 = arith.constant 0 : i32
        %dma_start3A_253 = tpu.memref_slice %arg2[%dma_start3A_251, %dma_start3A_252] : memref<65536x64xf32, #tpu.memory_space<hbm>> -> memref<65536x64xf32, #tpu.memory_space<hbm>>
        tpu.enqueue_indirect_dma source(%dma_start3A_253 : memref<65536x64xf32, #tpu.memory_space<hbm>>) target(%dma_start3A_249 : memref<128x64xf32, #tpu.memory_space<vmem>>) offsets(%dma_start3A_250 : memref<128xi32, #tpu.memory_space<vmem>>) semaphore(%arg10 : memref<!tpu.dma_semaphore, #tpu.memory_space<semaphore_mem>>)
        %dma_wait3A = arith.constant 0 : i32
        %dma_wait3A_254 = arith.constant 0 : i32
        %dma_wait3A_255 = arith.constant 0 : i32
        %dma_wait3A_256 = tpu.memref_slice %arg8[%dma_wait3A, %dma_wait3A_254, %dma_wait3A_255] : memref<2x128x64xf32, #tpu.memory_space<vmem>> -> memref<1x128x64xf32, #tpu.memory_space<vmem>>
        %dma_wait3A_257 = tpu.memref_squeeze %dma_wait3A_256 : memref<1x128x64xf32, #tpu.memory_space<vmem>> -> memref<128x64xf32, #tpu.memory_space<vmem>>
        %dma_wait3A_258 = tpu.memref_slice %arg7[%mul3A_232] : memref<4096xi32, #tpu.memory_space<vmem>> -> memref<128xi32, #tpu.memory_space<vmem>>
        %dma_wait3A_259 = arith.constant 0 : i32
        %dma_wait3A_260 = arith.constant 0 : i32
        %dma_wait3A_261 = tpu.memref_slice %arg2[%dma_wait3A_259, %dma_wait3A_260] : memref<65536x64xf32, #tpu.memory_space<hbm>> -> memref<65536x64xf32, #tpu.memory_space<hbm>>
        tpu.wait_indirect_dma semaphore(%arg10 : memref<!tpu.dma_semaphore, #tpu.memory_space<semaphore_mem>>) src(%dma_wait3A_261 : memref<65536x64xf32, #tpu.memory_space<hbm>>) dst(%dma_wait3A_257 : memref<128x64xf32, #tpu.memory_space<vmem>>)
        %dma_start3A_262 = arith.constant 0 : i32
        %dma_start3A_263 = arith.constant 0 : i32
        %dma_start3A_264 = arith.constant 0 : i32
        %dma_start3A_265 = tpu.memref_slice %arg8[%dma_start3A_262, %dma_start3A_263, %dma_start3A_264] : memref<2x128x64xf32, #tpu.memory_space<vmem>> -> memref<1x128x64xf32, #tpu.memory_space<vmem>>
        %dma_start3A_266 = tpu.memref_squeeze %dma_start3A_265 : memref<1x128x64xf32, #tpu.memory_space<vmem>> -> memref<128x64xf32, #tpu.memory_space<vmem>>
        %dma_start3A_267 = arith.constant 0 : i32
        %dma_start3A_268 = tpu.memref_slice %arg5[%add3A_235, %dma_start3A_267] : memref<65536x64xf32, #tpu.memory_space<hbm>> -> memref<128x64xf32, #tpu.memory_space<hbm>>
        %dma_start3A_269 = arith.constant 0 : i32
        %dma_start3A_270 = tpu.memref_slice %arg5[%add3A_235, %dma_start3A_269] : memref<65536x64xf32, #tpu.memory_space<hbm>> -> memref<128x64xf32, #tpu.memory_space<hbm>>
        %dma_start3A_271 = arith.constant 0 : i32
        %dma_start3A_272 = arith.constant 0 : i32
        %dma_start3A_273 = tpu.memref_slice %arg8[%dma_start3A_262, %dma_start3A_271, %dma_start3A_272] : memref<2x128x64xf32, #tpu.memory_space<vmem>> -> memref<1x128x64xf32, #tpu.memory_space<vmem>>
        %dma_start3A_274 = tpu.memref_squeeze %dma_start3A_273 : memref<1x128x64xf32, #tpu.memory_space<vmem>> -> memref<128x64xf32, #tpu.memory_space<vmem>>
        tpu.enqueue_dma source(%dma_start3A_274 : memref<128x64xf32, #tpu.memory_space<vmem>>) target(%dma_start3A_270 : memref<128x64xf32, #tpu.memory_space<hbm>>) target_semaphore(%arg11 : memref<!tpu.dma_semaphore, #tpu.memory_space<semaphore_mem>>)
      } else {
      }
      %eq3A_241 = arith.constant 1 : i32
      %eq3A_242 = arith.cmpi eq, %select_n3A_225, %eq3A_241 : i32
      %convert_element_type3A_243 = arith.extui %eq3A_242 : i1 to i32
      %cond3A_244 = arith.constant 0 : i32
      %cond3A_245 = arith.cmpi ne, %convert_element_type3A_243, %cond3A_244 : i32
      scf.if %cond3A_245 {
        %dma_start3A = arith.constant 1 : i32
        %dma_start3A_246 = arith.constant 0 : i32
        %dma_start3A_247 = arith.constant 0 : i32
        %dma_start3A_248 = tpu.memref_slice %arg8[%dma_start3A, %dma_start3A_246, %dma_start3A_247] : memref<2x128x64xf32, #tpu.memory_space<vmem>> -> memref<1x128x64xf32, #tpu.memory_space<vmem>>
        %dma_start3A_249 = tpu.memref_squeeze %dma_start3A_248 : memref<1x128x64xf32, #tpu.memory_space<vmem>> -> memref<128x64xf32, #tpu.memory_space<vmem>>
        %dma_start3A_250 = tpu.memref_slice %arg7[%mul3A_232] : memref<4096xi32, #tpu.memory_space<vmem>> -> memref<128xi32, #tpu.memory_space<vmem>>
        %dma_start3A_251 = arith.constant 0 : i32
        %dma_start3A_252 = arith.constant 0 : i32
        %dma_start3A_253 = tpu.memref_slice %arg2[%dma_start3A_251, %dma_start3A_252] : memref<65536x64xf32, #tpu.memory_space<hbm>> -> memref<65536x64xf32, #tpu.memory_space<hbm>>
        tpu.enqueue_indirect_dma source(%dma_start3A_253 : memref<65536x64xf32, #tpu.memory_space<hbm>>) target(%dma_start3A_249 : memref<128x64xf32, #tpu.memory_space<vmem>>) offsets(%dma_start3A_250 : memref<128xi32, #tpu.memory_space<vmem>>) semaphore(%arg10 : memref<!tpu.dma_semaphore, #tpu.memory_space<semaphore_mem>>)
        %dma_wait3A = arith.constant 1 : i32
        %dma_wait3A_254 = arith.constant 0 : i32
        %dma_wait3A_255 = arith.constant 0 : i32
        %dma_wait3A_256 = tpu.memref_slice %arg8[%dma_wait3A, %dma_wait3A_254, %dma_wait3A_255] : memref<2x128x64xf32, #tpu.memory_space<vmem>> -> memref<1x128x64xf32, #tpu.memory_space<vmem>>
        %dma_wait3A_257 = tpu.memref_squeeze %dma_wait3A_256 : memref<1x128x64xf32, #tpu.memory_space<vmem>> -> memref<128x64xf32, #tpu.memory_space<vmem>>
        %dma_wait3A_258 = tpu.memref_slice %arg7[%mul3A_232] : memref<4096xi32, #tpu.memory_space<vmem>> -> memref<128xi32, #tpu.memory_space<vmem>>
        %dma_wait3A_259 = arith.constant 0 : i32
        %dma_wait3A_260 = arith.constant 0 : i32
        %dma_wait3A_261 = tpu.memref_slice %arg2[%dma_wait3A_259, %dma_wait3A_260] : memref<65536x64xf32, #tpu.memory_space<hbm>> -> memref<65536x64xf32, #tpu.memory_space<hbm>>
        tpu.wait_indirect_dma semaphore(%arg10 : memref<!tpu.dma_semaphore, #tpu.memory_space<semaphore_mem>>) src(%dma_wait3A_261 : memref<65536x64xf32, #tpu.memory_space<hbm>>) dst(%dma_wait3A_257 : memref<128x64xf32, #tpu.memory_space<vmem>>)
        %dma_start3A_262 = arith.constant 1 : i32
        %dma_start3A_263 = arith.constant 0 : i32
        %dma_start3A_264 = arith.constant 0 : i32
        %dma_start3A_265 = tpu.memref_slice %arg8[%dma_start3A_262, %dma_start3A_263, %dma_start3A_264] : memref<2x128x64xf32, #tpu.memory_space<vmem>> -> memref<1x128x64xf32, #tpu.memory_space<vmem>>
        %dma_start3A_266 = tpu.memref_squeeze %dma_start3A_265 : memref<1x128x64xf32, #tpu.memory_space<vmem>> -> memref<128x64xf32, #tpu.memory_space<vmem>>
        %dma_start3A_267 = arith.constant 0 : i32
        %dma_start3A_268 = tpu.memref_slice %arg5[%add3A_235, %dma_start3A_267] : memref<65536x64xf32, #tpu.memory_space<hbm>> -> memref<128x64xf32, #tpu.memory_space<hbm>>
        %dma_start3A_269 = arith.constant 0 : i32
        %dma_start3A_270 = tpu.memref_slice %arg5[%add3A_235, %dma_start3A_269] : memref<65536x64xf32, #tpu.memory_space<hbm>> -> memref<128x64xf32, #tpu.memory_space<hbm>>
        %dma_start3A_271 = arith.constant 0 : i32
        %dma_start3A_272 = arith.constant 0 : i32
        %dma_start3A_273 = tpu.memref_slice %arg8[%dma_start3A_262, %dma_start3A_271, %dma_start3A_272] : memref<2x128x64xf32, #tpu.memory_space<vmem>> -> memref<1x128x64xf32, #tpu.memory_space<vmem>>
        %dma_start3A_274 = tpu.memref_squeeze %dma_start3A_273 : memref<1x128x64xf32, #tpu.memory_space<vmem>> -> memref<128x64xf32, #tpu.memory_space<vmem>>
        tpu.enqueue_dma source(%dma_start3A_274 : memref<128x64xf32, #tpu.memory_space<vmem>>) target(%dma_start3A_270 : memref<128x64xf32, #tpu.memory_space<hbm>>) target_semaphore(%arg12 : memref<!tpu.dma_semaphore, #tpu.memory_space<semaphore_mem>>)
      } else {
      }
    }
    %ge3A = arith.constant 2 : i32
    %ge3A_105 = arith.cmpi sge, %select_n3A_95, %ge3A : i32
    %convert_element_type3A = arith.extui %ge3A_105 : i1 to i32
    %cond3A = arith.constant 0 : i32
    %cond3A_106 = arith.cmpi ne, %convert_element_type3A, %cond3A : i32
    scf.if %cond3A_106 {
      %jit3A_206 = arith.constant 2 : i32
      %eq3A_207 = arith.constant 0 : i32
      %eq3A_208 = arith.cmpi eq, %jit3A_206, %eq3A_207 : i32
      %jit3A_209 = arith.constant 1 : i32
      %select_n3A_210 = arith.select %eq3A_208, %jit3A_209, %jit3A_206 : i32
      %rem3A_211 = arith.remsi %select_n3A_95, %select_n3A_210 : i32
      %ne3A_212 = arith.constant 0 : i32
      %ne3A_213 = arith.cmpi ne, %rem3A_211, %ne3A_212 : i32
      %lt3A_214 = arith.constant 0 : i32
      %lt3A_215 = arith.cmpi slt, %rem3A_211, %lt3A_214 : i32
      %lt3A_216 = arith.constant 0 : i32
      %lt3A_217 = arith.cmpi slt, %select_n3A_210, %lt3A_216 : i32
      %ne3A_218 = arith.xori %lt3A_215, %lt3A_217 : i1
      %and3A_219 = arith.andi %ne3A_218, %ne3A_213 : i1
      %add3A_220 = arith.addi %rem3A_211, %select_n3A_210 : i32
      %select_n3A_221 = arith.select %and3A_219, %add3A_220, %rem3A_211 : i32
      %eq3A_222 = arith.constant 0 : i32
      %eq3A_223 = arith.cmpi eq, %select_n3A_221, %eq3A_222 : i32
      %convert_element_type3A_224 = arith.extui %eq3A_223 : i1 to i32
      %cond3A_225 = arith.constant 0 : i32
      %cond3A_226 = arith.cmpi ne, %convert_element_type3A_224, %cond3A_225 : i32
      scf.if %cond3A_226 {
        %dma_wait3A = arith.constant 0 : i32
        %dma_wait3A_232 = arith.constant 0 : i32
        %dma_wait3A_233 = arith.constant 0 : i32
        %dma_wait3A_234 = tpu.memref_slice %arg8[%dma_wait3A, %dma_wait3A_232, %dma_wait3A_233] : memref<2x128x64xf32, #tpu.memory_space<vmem>> -> memref<1x128x64xf32, #tpu.memory_space<vmem>>
        %dma_wait3A_235 = tpu.memref_squeeze %dma_wait3A_234 : memref<1x128x64xf32, #tpu.memory_space<vmem>> -> memref<128x64xf32, #tpu.memory_space<vmem>>
        %dma_wait3A_236 = arith.constant 0 : i32
        %dma_wait3A_237 = tpu.memref_slice %arg5[%mul3A_32, %dma_wait3A_236] : memref<65536x64xf32, #tpu.memory_space<hbm>> -> memref<128x64xf32, #tpu.memory_space<hbm>>
        %dma_wait3A_238 = arith.constant 0 : i32
        %dma_wait3A_239 = tpu.memref_slice %arg5[%mul3A_32, %dma_wait3A_238] : memref<65536x64xf32, #tpu.memory_space<hbm>> -> memref<128x64xf32, #tpu.memory_space<hbm>>
        %dma_wait3A_240 = arith.constant 0 : i32
        %dma_wait3A_241 = arith.constant 0 : i32
        %dma_wait3A_242 = tpu.memref_slice %arg8[%dma_wait3A, %dma_wait3A_240, %dma_wait3A_241] : memref<2x128x64xf32, #tpu.memory_space<vmem>> -> memref<1x128x64xf32, #tpu.memory_space<vmem>>
        %dma_wait3A_243 = tpu.memref_squeeze %dma_wait3A_242 : memref<1x128x64xf32, #tpu.memory_space<vmem>> -> memref<128x64xf32, #tpu.memory_space<vmem>>
        tpu.wait_dma2 semaphore(%arg11 : memref<!tpu.dma_semaphore, #tpu.memory_space<semaphore_mem>>) src(%dma_wait3A_243 : memref<128x64xf32, #tpu.memory_space<vmem>>) dst(%dma_wait3A_239 : memref<128x64xf32, #tpu.memory_space<hbm>>)
      } else {
      }
      %eq3A_227 = arith.constant 1 : i32
      %eq3A_228 = arith.cmpi eq, %select_n3A_221, %eq3A_227 : i32
      %convert_element_type3A_229 = arith.extui %eq3A_228 : i1 to i32
      %cond3A_230 = arith.constant 0 : i32
      %cond3A_231 = arith.cmpi ne, %convert_element_type3A_229, %cond3A_230 : i32
      scf.if %cond3A_231 {
        %dma_wait3A = arith.constant 1 : i32
        %dma_wait3A_232 = arith.constant 0 : i32
        %dma_wait3A_233 = arith.constant 0 : i32
        %dma_wait3A_234 = tpu.memref_slice %arg8[%dma_wait3A, %dma_wait3A_232, %dma_wait3A_233] : memref<2x128x64xf32, #tpu.memory_space<vmem>> -> memref<1x128x64xf32, #tpu.memory_space<vmem>>
        %dma_wait3A_235 = tpu.memref_squeeze %dma_wait3A_234 : memref<1x128x64xf32, #tpu.memory_space<vmem>> -> memref<128x64xf32, #tpu.memory_space<vmem>>
        %dma_wait3A_236 = arith.constant 0 : i32
        %dma_wait3A_237 = tpu.memref_slice %arg5[%mul3A_32, %dma_wait3A_236] : memref<65536x64xf32, #tpu.memory_space<hbm>> -> memref<128x64xf32, #tpu.memory_space<hbm>>
        %dma_wait3A_238 = arith.constant 0 : i32
        %dma_wait3A_239 = tpu.memref_slice %arg5[%mul3A_32, %dma_wait3A_238] : memref<65536x64xf32, #tpu.memory_space<hbm>> -> memref<128x64xf32, #tpu.memory_space<hbm>>
        %dma_wait3A_240 = arith.constant 0 : i32
        %dma_wait3A_241 = arith.constant 0 : i32
        %dma_wait3A_242 = tpu.memref_slice %arg8[%dma_wait3A, %dma_wait3A_240, %dma_wait3A_241] : memref<2x128x64xf32, #tpu.memory_space<vmem>> -> memref<1x128x64xf32, #tpu.memory_space<vmem>>
        %dma_wait3A_243 = tpu.memref_squeeze %dma_wait3A_242 : memref<1x128x64xf32, #tpu.memory_space<vmem>> -> memref<128x64xf32, #tpu.memory_space<vmem>>
        tpu.wait_dma2 semaphore(%arg12 : memref<!tpu.dma_semaphore, #tpu.memory_space<semaphore_mem>>) src(%dma_wait3A_243 : memref<128x64xf32, #tpu.memory_space<vmem>>) dst(%dma_wait3A_239 : memref<128x64xf32, #tpu.memory_space<hbm>>)
      } else {
      }
    } else {
    }
    %ge3A_107 = arith.constant 1 : i32
    %ge3A_108 = arith.cmpi sge, %select_n3A_95, %ge3A_107 : i32
    %convert_element_type3A_109 = arith.extui %ge3A_108 : i1 to i32
    %cond3A_110 = arith.constant 0 : i32
    %cond3A_111 = arith.cmpi ne, %convert_element_type3A_109, %cond3A_110 : i32
    scf.if %cond3A_111 {
      %add3A_206 = arith.constant 1 : i32
      %add3A_207 = arith.addi %select_n3A_95, %add3A_206 : i32
      %jit3A_208 = arith.constant 2 : i32
      %eq3A_209 = arith.constant 0 : i32
      %eq3A_210 = arith.cmpi eq, %jit3A_208, %eq3A_209 : i32
      %jit3A_211 = arith.constant 1 : i32
      %select_n3A_212 = arith.select %eq3A_210, %jit3A_211, %jit3A_208 : i32
      %rem3A_213 = arith.remsi %add3A_207, %select_n3A_212 : i32
      %ne3A_214 = arith.constant 0 : i32
      %ne3A_215 = arith.cmpi ne, %rem3A_213, %ne3A_214 : i32
      %lt3A_216 = arith.constant 0 : i32
      %lt3A_217 = arith.cmpi slt, %rem3A_213, %lt3A_216 : i32
      %lt3A_218 = arith.constant 0 : i32
      %lt3A_219 = arith.cmpi slt, %select_n3A_212, %lt3A_218 : i32
      %ne3A_220 = arith.xori %lt3A_217, %lt3A_219 : i1
      %and3A_221 = arith.andi %ne3A_220, %ne3A_215 : i1
      %add3A_222 = arith.addi %rem3A_213, %select_n3A_212 : i32
      %select_n3A_223 = arith.select %and3A_221, %add3A_222, %rem3A_213 : i32
      %eq3A_224 = arith.constant 0 : i32
      %eq3A_225 = arith.cmpi eq, %select_n3A_223, %eq3A_224 : i32
      %convert_element_type3A_226 = arith.extui %eq3A_225 : i1 to i32
      %cond3A_227 = arith.constant 0 : i32
      %cond3A_228 = arith.cmpi ne, %convert_element_type3A_226, %cond3A_227 : i32
      scf.if %cond3A_228 {
        %dma_wait3A = arith.constant 0 : i32
        %dma_wait3A_234 = arith.constant 0 : i32
        %dma_wait3A_235 = arith.constant 0 : i32
        %dma_wait3A_236 = tpu.memref_slice %arg8[%dma_wait3A, %dma_wait3A_234, %dma_wait3A_235] : memref<2x128x64xf32, #tpu.memory_space<vmem>> -> memref<1x128x64xf32, #tpu.memory_space<vmem>>
        %dma_wait3A_237 = tpu.memref_squeeze %dma_wait3A_236 : memref<1x128x64xf32, #tpu.memory_space<vmem>> -> memref<128x64xf32, #tpu.memory_space<vmem>>
        %dma_wait3A_238 = arith.constant 0 : i32
        %dma_wait3A_239 = tpu.memref_slice %arg5[%mul3A_32, %dma_wait3A_238] : memref<65536x64xf32, #tpu.memory_space<hbm>> -> memref<128x64xf32, #tpu.memory_space<hbm>>
        %dma_wait3A_240 = arith.constant 0 : i32
        %dma_wait3A_241 = tpu.memref_slice %arg5[%mul3A_32, %dma_wait3A_240] : memref<65536x64xf32, #tpu.memory_space<hbm>> -> memref<128x64xf32, #tpu.memory_space<hbm>>
        %dma_wait3A_242 = arith.constant 0 : i32
        %dma_wait3A_243 = arith.constant 0 : i32
        %dma_wait3A_244 = tpu.memref_slice %arg8[%dma_wait3A, %dma_wait3A_242, %dma_wait3A_243] : memref<2x128x64xf32, #tpu.memory_space<vmem>> -> memref<1x128x64xf32, #tpu.memory_space<vmem>>
        %dma_wait3A_245 = tpu.memref_squeeze %dma_wait3A_244 : memref<1x128x64xf32, #tpu.memory_space<vmem>> -> memref<128x64xf32, #tpu.memory_space<vmem>>
        tpu.wait_dma2 semaphore(%arg11 : memref<!tpu.dma_semaphore, #tpu.memory_space<semaphore_mem>>) src(%dma_wait3A_245 : memref<128x64xf32, #tpu.memory_space<vmem>>) dst(%dma_wait3A_241 : memref<128x64xf32, #tpu.memory_space<hbm>>)
      } else {
      }
      %eq3A_229 = arith.constant 1 : i32
      %eq3A_230 = arith.cmpi eq, %select_n3A_223, %eq3A_229 : i32
      %convert_element_type3A_231 = arith.extui %eq3A_230 : i1 to i32
      %cond3A_232 = arith.constant 0 : i32
      %cond3A_233 = arith.cmpi ne, %convert_element_type3A_231, %cond3A_232 : i32
      scf.if %cond3A_233 {
        %dma_wait3A = arith.constant 1 : i32
        %dma_wait3A_234 = arith.constant 0 : i32
        %dma_wait3A_235 = arith.constant 0 : i32
        %dma_wait3A_236 = tpu.memref_slice %arg8[%dma_wait3A, %dma_wait3A_234, %dma_wait3A_235] : memref<2x128x64xf32, #tpu.memory_space<vmem>> -> memref<1x128x64xf32, #tpu.memory_space<vmem>>
        %dma_wait3A_237 = tpu.memref_squeeze %dma_wait3A_236 : memref<1x128x64xf32, #tpu.memory_space<vmem>> -> memref<128x64xf32, #tpu.memory_space<vmem>>
        %dma_wait3A_238 = arith.constant 0 : i32
        %dma_wait3A_239 = tpu.memref_slice %arg5[%mul3A_32, %dma_wait3A_238] : memref<65536x64xf32, #tpu.memory_space<hbm>> -> memref<128x64xf32, #tpu.memory_space<hbm>>
        %dma_wait3A_240 = arith.constant 0 : i32
        %dma_wait3A_241 = tpu.memref_slice %arg5[%mul3A_32, %dma_wait3A_240] : memref<65536x64xf32, #tpu.memory_space<hbm>> -> memref<128x64xf32, #tpu.memory_space<hbm>>
        %dma_wait3A_242 = arith.constant 0 : i32
        %dma_wait3A_243 = arith.constant 0 : i32
        %dma_wait3A_244 = tpu.memref_slice %arg8[%dma_wait3A, %dma_wait3A_242, %dma_wait3A_243] : memref<2x128x64xf32, #tpu.memory_space<vmem>> -> memref<1x128x64xf32, #tpu.memory_space<vmem>>
        %dma_wait3A_245 = tpu.memref_squeeze %dma_wait3A_244 : memref<1x128x64xf32, #tpu.memory_space<vmem>> -> memref<128x64xf32, #tpu.memory_space<vmem>>
        tpu.wait_dma2 semaphore(%arg12 : memref<!tpu.dma_semaphore, #tpu.memory_space<semaphore_mem>>) src(%dma_wait3A_245 : memref<128x64xf32, #tpu.memory_space<vmem>>) dst(%dma_wait3A_241 : memref<128x64xf32, #tpu.memory_space<hbm>>)
      } else {
      }
    } else {
    }
    %mul3A_112 = arith.constant 128 : i32
    %mul3A_113 = arith.muli %select_n3A_68, %mul3A_112 : i32
    %sub3A_114 = arith.subi %scan3A_43, %mul3A_113 : i32
    %iota3A = tpu.iota {dimensions = array<i32: 0>} : vector<16xi32>
    %eq3A_115 = arith.constant 0 : i32
    %eq3A_116 = vector.broadcast %eq3A_115 : i32 to vector<16xi32>
    %eq3A_117 = arith.cmpi eq, %iota3A, %eq3A_116 : vector<16xi32>
    %jit3A_118 = arith.constant 1.000000e+00 : f32
    %jit3A_119 = arith.constant 0.000000e+00 : f32
    %broadcast_in_dim3A = vector.broadcast %jit3A_118 : f32 to vector<16xf32>
    %broadcast_in_dim3A_120 = vector.broadcast %jit3A_119 : f32 to vector<16xf32>
    %select_n3A_121 = arith.select %eq3A_117, %broadcast_in_dim3A, %broadcast_in_dim3A_120 : vector<16xi1>, vector<16xf32>
    %broadcast_in_dim3A_122 = arith.constant 0.000000e+00 : f32
    %broadcast_in_dim3A_123 = vector.broadcast %broadcast_in_dim3A_122 : f32 to vector<16xf32>
    %gt3A = arith.constant 0 : i32
    %gt3A_124 = arith.cmpi sgt, %sub3A_114, %gt3A : i32
    %jit3A_125 = arith.constant 2 : i32
    %eq3A_126 = arith.constant 0 : i32
    %eq3A_127 = arith.cmpi eq, %jit3A_125, %eq3A_126 : i32
    %jit3A_128 = arith.constant 1 : i32
    %select_n3A_129 = arith.select %eq3A_127, %jit3A_128, %jit3A_125 : i32
    %rem3A_130 = arith.remsi %select_n3A_68, %select_n3A_129 : i32
    %ne3A_131 = arith.constant 0 : i32
    %ne3A_132 = arith.cmpi ne, %rem3A_130, %ne3A_131 : i32
    %lt3A_133 = arith.constant 0 : i32
    %lt3A_134 = arith.cmpi slt, %rem3A_130, %lt3A_133 : i32
    %lt3A_135 = arith.constant 0 : i32
    %lt3A_136 = arith.cmpi slt, %select_n3A_129, %lt3A_135 : i32
    %ne3A_137 = arith.xori %lt3A_134, %lt3A_136 : i1
    %and3A_138 = arith.andi %ne3A_137, %ne3A_132 : i1
    %add3A_139 = arith.addi %rem3A_130, %select_n3A_129 : i32
    %select_n3A_140 = arith.select %and3A_138, %add3A_139, %rem3A_130 : i32
    %eq3A_141 = arith.cmpi eq, %select_n3A_140, %select_n3A_30 : i32
    %and3A_142 = arith.andi %gt3A_124, %eq3A_141 : i1
    %convert_element_type3A_143 = arith.extui %and3A_142 : i1 to i32
    %cond3A_144 = arith.constant 0 : i32
    %cond3A_145 = arith.cmpi ne, %convert_element_type3A_143, %cond3A_144 : i32
    scf.if %cond3A_145 {
      %mul3A_206 = arith.constant 128 : i32
      %mul3A_207 = arith.muli %select_n3A_68, %mul3A_206 : i32
      %dma_start3A = arith.constant 0 : i32
      %dma_start3A_208 = arith.constant 0 : i32
      %dma_start3A_209 = arith.constant 0 : i32
      %dma_start3A_210 = tpu.memref_slice %arg8[%dma_start3A, %dma_start3A_208, %dma_start3A_209] : memref<2x128x64xf32, #tpu.memory_space<vmem>> -> memref<1x128x64xf32, #tpu.memory_space<vmem>>
      %dma_start3A_211 = tpu.memref_squeeze %dma_start3A_210 : memref<1x128x64xf32, #tpu.memory_space<vmem>> -> memref<128x64xf32, #tpu.memory_space<vmem>>
      %dma_start3A_212 = tpu.memref_slice %arg7[%mul3A_207] : memref<4096xi32, #tpu.memory_space<vmem>> -> memref<128xi32, #tpu.memory_space<vmem>>
      %dma_start3A_213 = arith.constant 0 : i32
      %dma_start3A_214 = arith.constant 0 : i32
      %dma_start3A_215 = tpu.memref_slice %arg2[%dma_start3A_213, %dma_start3A_214] : memref<65536x64xf32, #tpu.memory_space<hbm>> -> memref<65536x64xf32, #tpu.memory_space<hbm>>
      tpu.enqueue_indirect_dma source(%dma_start3A_215 : memref<65536x64xf32, #tpu.memory_space<hbm>>) target(%dma_start3A_211 : memref<128x64xf32, #tpu.memory_space<vmem>>) offsets(%dma_start3A_212 : memref<128xi32, #tpu.memory_space<vmem>>) semaphore(%arg10 : memref<!tpu.dma_semaphore, #tpu.memory_space<semaphore_mem>>)
      %dma_wait3A = arith.constant 0 : i32
      %dma_wait3A_216 = arith.constant 0 : i32
      %dma_wait3A_217 = arith.constant 0 : i32
      %dma_wait3A_218 = tpu.memref_slice %arg8[%dma_wait3A, %dma_wait3A_216, %dma_wait3A_217] : memref<2x128x64xf32, #tpu.memory_space<vmem>> -> memref<1x128x64xf32, #tpu.memory_space<vmem>>
      %dma_wait3A_219 = tpu.memref_squeeze %dma_wait3A_218 : memref<1x128x64xf32, #tpu.memory_space<vmem>> -> memref<128x64xf32, #tpu.memory_space<vmem>>
      %dma_wait3A_220 = tpu.memref_slice %arg7[%mul3A_207] : memref<4096xi32, #tpu.memory_space<vmem>> -> memref<128xi32, #tpu.memory_space<vmem>>
      %dma_wait3A_221 = arith.constant 0 : i32
      %dma_wait3A_222 = arith.constant 0 : i32
      %dma_wait3A_223 = tpu.memref_slice %arg2[%dma_wait3A_221, %dma_wait3A_222] : memref<65536x64xf32, #tpu.memory_space<hbm>> -> memref<65536x64xf32, #tpu.memory_space<hbm>>
      tpu.wait_indirect_dma semaphore(%arg10 : memref<!tpu.dma_semaphore, #tpu.memory_space<semaphore_mem>>) src(%dma_wait3A_223 : memref<65536x64xf32, #tpu.memory_space<hbm>>) dst(%dma_wait3A_219 : memref<128x64xf32, #tpu.memory_space<vmem>>)
      %while3A_224 = arith.constant 0 : i32
      %while3A_225 = arith.constant 128 : i32
      %while3A_226 = arith.subi %while3A_225, %sub3A_114 : i32
      %while3A_227 = arith.addi %sub3A_114, %while3A_226 : i32
      %while3A_228 = arith.constant 1 : i32
      %while3A_229 = arith.divsi %while3A_226, %while3A_228 : i32
      %while3A_230 = arith.muli %while3A_229, %while3A_228 : i32
      %while3A_231 = arith.addi %sub3A_114, %while3A_230 : i32
      %while3A_232 = arith.constant 1 : i32
      scf.for %while3A_237 = %sub3A_114 to %while3A_231 step %while3A_232  : i32 {
        %swap3A = arith.constant 0 : i32
        %swap3A_238 = arith.index_cast %swap3A : i32 to index
        %swap3A_239 = arith.index_cast %while3A_237 : i32 to index
        %swap3A_240 = arith.constant 0 : index
        %swap3A_241 = tpu.vector_load %arg8[%swap3A_238, %swap3A_239, %swap3A_240] {strides = array<i32>} : memref<2x128x64xf32, #tpu.memory_space<vmem>>, vector<16xf32>,
        tpu.vector_store %arg8[%swap3A_238, %swap3A_239, %swap3A_240], %select_n3A_121 {strides = array<i32>} : memref<2x128x64xf32, #tpu.memory_space<vmem>>, vector<16xf32>,
        %swap3A_242 = arith.constant 0 : i32
        %swap3A_243 = arith.index_cast %swap3A_242 : i32 to index
        %swap3A_244 = arith.index_cast %while3A_237 : i32 to index
        %swap3A_245 = arith.constant 16 : index
        %swap3A_246 = tpu.vector_load %arg8[%swap3A_243, %swap3A_244, %swap3A_245] {strides = array<i32>} : memref<2x128x64xf32, #tpu.memory_space<vmem>>, vector<16xf32>,
        tpu.vector_store %arg8[%swap3A_243, %swap3A_244, %swap3A_245], %broadcast_in_dim3A_123 {strides = array<i32>} : memref<2x128x64xf32, #tpu.memory_space<vmem>>, vector<16xf32>,
        %swap3A_247 = arith.constant 0 : i32
        %swap3A_248 = arith.index_cast %swap3A_247 : i32 to index
        %swap3A_249 = arith.index_cast %while3A_237 : i32 to index
        %swap3A_250 = arith.constant 32 : index
        %swap3A_251 = tpu.vector_load %arg8[%swap3A_248, %swap3A_249, %swap3A_250] {strides = array<i32>} : memref<2x128x64xf32, #tpu.memory_space<vmem>>, vector<16xf32>,
        tpu.vector_store %arg8[%swap3A_248, %swap3A_249, %swap3A_250], %broadcast_in_dim3A_123 {strides = array<i32>} : memref<2x128x64xf32, #tpu.memory_space<vmem>>, vector<16xf32>,
        %swap3A_252 = arith.constant 0 : i32
        %swap3A_253 = arith.index_cast %swap3A_252 : i32 to index
        %swap3A_254 = arith.index_cast %while3A_237 : i32 to index
        %swap3A_255 = arith.constant 48 : index
        %swap3A_256 = tpu.vector_load %arg8[%swap3A_253, %swap3A_254, %swap3A_255] {strides = array<i32>} : memref<2x128x64xf32, #tpu.memory_space<vmem>>, vector<16xf32>,
        tpu.vector_store %arg8[%swap3A_253, %swap3A_254, %swap3A_255], %broadcast_in_dim3A_123 {strides = array<i32>} : memref<2x128x64xf32, #tpu.memory_space<vmem>>, vector<16xf32>,
      }
      %while3A_233 = arith.constant 1 : i32
      scf.for %while3A_237 = %while3A_231 to %while3A_227 step %while3A_233  : i32 {
        %swap3A = arith.constant 0 : i32
        %swap3A_238 = arith.index_cast %swap3A : i32 to index
        %swap3A_239 = arith.index_cast %while3A_237 : i32 to index
        %swap3A_240 = arith.constant 0 : index
        %swap3A_241 = tpu.vector_load %arg8[%swap3A_238, %swap3A_239, %swap3A_240] {strides = array<i32>} : memref<2x128x64xf32, #tpu.memory_space<vmem>>, vector<16xf32>,
        tpu.vector_store %arg8[%swap3A_238, %swap3A_239, %swap3A_240], %select_n3A_121 {strides = array<i32>} : memref<2x128x64xf32, #tpu.memory_space<vmem>>, vector<16xf32>,
        %swap3A_242 = arith.constant 0 : i32
        %swap3A_243 = arith.index_cast %swap3A_242 : i32 to index
        %swap3A_244 = arith.index_cast %while3A_237 : i32 to index
        %swap3A_245 = arith.constant 16 : index
        %swap3A_246 = tpu.vector_load %arg8[%swap3A_243, %swap3A_244, %swap3A_245] {strides = array<i32>} : memref<2x128x64xf32, #tpu.memory_space<vmem>>, vector<16xf32>,
        tpu.vector_store %arg8[%swap3A_243, %swap3A_244, %swap3A_245], %broadcast_in_dim3A_123 {strides = array<i32>} : memref<2x128x64xf32, #tpu.memory_space<vmem>>, vector<16xf32>,
        %swap3A_247 = arith.constant 0 : i32
        %swap3A_248 = arith.index_cast %swap3A_247 : i32 to index
        %swap3A_249 = arith.index_cast %while3A_237 : i32 to index
        %swap3A_250 = arith.constant 32 : index
        %swap3A_251 = tpu.vector_load %arg8[%swap3A_248, %swap3A_249, %swap3A_250] {strides = array<i32>} : memref<2x128x64xf32, #tpu.memory_space<vmem>>, vector<16xf32>,
        tpu.vector_store %arg8[%swap3A_248, %swap3A_249, %swap3A_250], %broadcast_in_dim3A_123 {strides = array<i32>} : memref<2x128x64xf32, #tpu.memory_space<vmem>>, vector<16xf32>,
        %swap3A_252 = arith.constant 0 : i32
        %swap3A_253 = arith.index_cast %swap3A_252 : i32 to index
        %swap3A_254 = arith.index_cast %while3A_237 : i32 to index
        %swap3A_255 = arith.constant 48 : index
        %swap3A_256 = tpu.vector_load %arg8[%swap3A_253, %swap3A_254, %swap3A_255] {strides = array<i32>} : memref<2x128x64xf32, #tpu.memory_space<vmem>>, vector<16xf32>,
        tpu.vector_store %arg8[%swap3A_253, %swap3A_254, %swap3A_255], %broadcast_in_dim3A_123 {strides = array<i32>} : memref<2x128x64xf32, #tpu.memory_space<vmem>>, vector<16xf32>,
      }
      %mul3A_234 = arith.constant 128 : i32
      %mul3A_235 = arith.muli %select_n3A_68, %mul3A_234 : i32
      %add3A_236 = arith.addi %mul3A_32, %mul3A_235 : i32
      %run_scoped3A = arith.constant 0 : i32
      "tpu.region"() ({
        %run_scoped3A_237 = tpu.sem_alloc : memref<!tpu.dma_semaphore, #tpu.memory_space<semaphore_mem>>
        %dma_start3A_238 = arith.constant 0 : i32
        %dma_start3A_239 = arith.constant 0 : i32
        %dma_start3A_240 = tpu.memref_slice %arg8[%run_scoped3A, %dma_start3A_238, %dma_start3A_239] : memref<2x128x64xf32, #tpu.memory_space<vmem>> -> memref<1x128x64xf32, #tpu.memory_space<vmem>>
        %dma_start3A_241 = tpu.memref_squeeze %dma_start3A_240 : memref<1x128x64xf32, #tpu.memory_space<vmem>> -> memref<128x64xf32, #tpu.memory_space<vmem>>
        %dma_start3A_242 = arith.constant 0 : i32
        %dma_start3A_243 = tpu.memref_slice %arg5[%add3A_236, %dma_start3A_242] : memref<65536x64xf32, #tpu.memory_space<hbm>> -> memref<128x64xf32, #tpu.memory_space<hbm>>
        %dma_start3A_244 = arith.constant 0 : i32
        %dma_start3A_245 = tpu.memref_slice %arg5[%add3A_236, %dma_start3A_244] : memref<65536x64xf32, #tpu.memory_space<hbm>> -> memref<128x64xf32, #tpu.memory_space<hbm>>
        %dma_start3A_246 = arith.constant 0 : i32
        %dma_start3A_247 = arith.constant 0 : i32
        %dma_start3A_248 = tpu.memref_slice %arg8[%run_scoped3A, %dma_start3A_246, %dma_start3A_247] : memref<2x128x64xf32, #tpu.memory_space<vmem>> -> memref<1x128x64xf32, #tpu.memory_space<vmem>>
        %dma_start3A_249 = tpu.memref_squeeze %dma_start3A_248 : memref<1x128x64xf32, #tpu.memory_space<vmem>> -> memref<128x64xf32, #tpu.memory_space<vmem>>
        tpu.enqueue_dma source(%dma_start3A_249 : memref<128x64xf32, #tpu.memory_space<vmem>>) target(%dma_start3A_245 : memref<128x64xf32, #tpu.memory_space<hbm>>) target_semaphore(%run_scoped3A_237 : memref<!tpu.dma_semaphore, #tpu.memory_space<semaphore_mem>>)
        %dma_wait3A_250 = arith.constant 0 : i32
        %dma_wait3A_251 = arith.constant 0 : i32
        %dma_wait3A_252 = tpu.memref_slice %arg8[%run_scoped3A, %dma_wait3A_250, %dma_wait3A_251] : memref<2x128x64xf32, #tpu.memory_space<vmem>> -> memref<1x128x64xf32, #tpu.memory_space<vmem>>
        %dma_wait3A_253 = tpu.memref_squeeze %dma_wait3A_252 : memref<1x128x64xf32, #tpu.memory_space<vmem>> -> memref<128x64xf32, #tpu.memory_space<vmem>>
        %dma_wait3A_254 = arith.constant 0 : i32
        %dma_wait3A_255 = tpu.memref_slice %arg5[%add3A_236, %dma_wait3A_254] : memref<65536x64xf32, #tpu.memory_space<hbm>> -> memref<128x64xf32, #tpu.memory_space<hbm>>
        %dma_wait3A_256 = arith.constant 0 : i32
        %dma_wait3A_257 = tpu.memref_slice %arg5[%add3A_236, %dma_wait3A_256] : memref<65536x64xf32, #tpu.memory_space<hbm>> -> memref<128x64xf32, #tpu.memory_space<hbm>>
        %dma_wait3A_258 = arith.constant 0 : i32
        %dma_wait3A_259 = arith.constant 0 : i32
        %dma_wait3A_260 = tpu.memref_slice %arg8[%run_scoped3A, %dma_wait3A_258, %dma_wait3A_259] : memref<2x128x64xf32, #tpu.memory_space<vmem>> -> memref<1x128x64xf32, #tpu.memory_space<vmem>>
        %dma_wait3A_261 = tpu.memref_squeeze %dma_wait3A_260 : memref<1x128x64xf32, #tpu.memory_space<vmem>> -> memref<128x64xf32, #tpu.memory_space<vmem>>
        tpu.wait_dma2 semaphore(%run_scoped3A_237 : memref<!tpu.dma_semaphore, #tpu.memory_space<semaphore_mem>>) src(%dma_wait3A_261 : memref<128x64xf32, #tpu.memory_space<vmem>>) dst(%dma_wait3A_257 : memref<128x64xf32, #tpu.memory_space<hbm>>)
        tpu.yield
      }) : () -> ()
    } else {
    }
    %gt3A_146 = arith.constant 0 : i32
    %gt3A_147 = arith.cmpi sgt, %sub3A_114, %gt3A_146 : i32
    %jit3A_148 = arith.constant 1 : i32
    %jit3A_149 = arith.constant 0 : i32
    %select_n3A_150 = arith.select %gt3A_147, %jit3A_148, %jit3A_149 : i32
    %add3A_151 = arith.addi %select_n3A_68, %select_n3A_150 : i32
    %add3A_152 = arith.addi %add3A_151, %select_n3A_30 : i32
    %jit3A_153 = arith.constant 2 : i32
    %eq3A_154 = arith.constant 0 : i32
    %eq3A_155 = arith.cmpi eq, %jit3A_153, %eq3A_154 : i32
    %jit3A_156 = arith.constant 1 : i32
    %select_n3A_157 = arith.select %eq3A_155, %jit3A_156, %jit3A_153 : i32
    %rem3A_158 = arith.remsi %add3A_152, %select_n3A_157 : i32
    %ne3A_159 = arith.constant 0 : i32
    %ne3A_160 = arith.cmpi ne, %rem3A_158, %ne3A_159 : i32
    %lt3A_161 = arith.constant 0 : i32
    %lt3A_162 = arith.cmpi slt, %rem3A_158, %lt3A_161 : i32
    %lt3A_163 = arith.constant 0 : i32
    %lt3A_164 = arith.cmpi slt, %select_n3A_157, %lt3A_163 : i32
    %ne3A_165 = arith.xori %lt3A_162, %lt3A_164 : i1
    %and3A_166 = arith.andi %ne3A_165, %ne3A_160 : i1
    %add3A_167 = arith.addi %rem3A_158, %select_n3A_157 : i32
    %select_n3A_168 = arith.select %and3A_166, %add3A_167, %rem3A_158 : i32
    %add3A_169 = arith.addi %add3A_151, %select_n3A_168 : i32
    %sub3A_170 = arith.constant 33 : i32
    %sub3A_171 = arith.subi %sub3A_170, %add3A_169 : i32
    %jit3A_172 = arith.constant 2 : i32
    %div3A_173 = arith.divsi %sub3A_171, %jit3A_172 : i32
    %sign3A_174 = arith.constant 0 : i32
    %sign3A_175 = arith.cmpi sgt, %sub3A_171, %sign3A_174 : i32
    %sign3A_176 = arith.extui %sign3A_175 : i1 to i32
    %sign3A_177 = arith.constant 0 : i32
    %sign3A_178 = arith.cmpi slt, %sub3A_171, %sign3A_177 : i32
    %sign3A_179 = arith.extui %sign3A_178 : i1 to i32
    %sign3A_180 = arith.subi %sign3A_176, %sign3A_179 : i32
    %sign3A_181 = arith.constant 0 : i32
    %sign3A_182 = arith.cmpi sgt, %jit3A_172, %sign3A_181 : i32
    %sign3A_183 = arith.extui %sign3A_182 : i1 to i32
    %sign3A_184 = arith.constant 0 : i32
    %sign3A_185 = arith.cmpi slt, %jit3A_172, %sign3A_184 : i32
    %sign3A_186 = arith.extui %sign3A_185 : i1 to i32
    %sign3A_187 = arith.subi %sign3A_183, %sign3A_186 : i32
    %ne3A_188 = arith.cmpi ne, %sign3A_180, %sign3A_187 : i32
    %rem3A_189 = arith.remsi %sub3A_171, %jit3A_172 : i32
    %ne3A_190 = arith.constant 0 : i32
    %ne3A_191 = arith.cmpi ne, %rem3A_189, %ne3A_190 : i32
    %and3A_192 = arith.andi %ne3A_188, %ne3A_191 : i1
    %sub3A_193 = arith.constant 1 : i32
    %sub3A_194 = arith.subi %div3A_173, %sub3A_193 : i32
    %select_n3A_195 = arith.select %and3A_192, %sub3A_194, %div3A_173 : i32
    %while3A_196 = arith.constant 0 : i32
    %while3A_197 = arith.constant 0 : i32
    %while3A_198 = arith.subi %select_n3A_195, %while3A_197 : i32
    %while3A_199 = arith.addi %while3A_197, %while3A_198 : i32
    %while3A_200 = arith.constant 1 : i32
    %while3A_201 = arith.divsi %while3A_198, %while3A_200 : i32
    %while3A_202 = arith.muli %while3A_201, %while3A_200 : i32
    %while3A_203 = arith.addi %while3A_197, %while3A_202 : i32
    %while3A_204 = arith.constant 1 : i32
    scf.for %while3A_206 = %while3A_197 to %while3A_203 step %while3A_204  : i32 {
      %mul3A_207 = arith.constant 2 : i32
      %mul3A_208 = arith.muli %mul3A_207, %while3A_206 : i32
      %add3A_209 = arith.addi %add3A_169, %mul3A_208 : i32
      %mul3A_210 = arith.constant 128 : i32
      %mul3A_211 = arith.muli %add3A_209, %mul3A_210 : i32
      %add3A_212 = arith.addi %mul3A_32, %mul3A_211 : i32
      "tpu.region"() ({
        %run_scoped3A = tpu.sem_alloc : memref<!tpu.dma_semaphore, #tpu.memory_space<semaphore_mem>>
        %dma_start3A = arith.constant 0 : i32
        %dma_start3A_213 = tpu.memref_slice %arg5[%add3A_212, %dma_start3A] : memref<65536x64xf32, #tpu.memory_space<hbm>> -> memref<128x64xf32, #tpu.memory_space<hbm>>
        %dma_start3A_214 = arith.constant 0 : i32
        %dma_start3A_215 = tpu.memref_slice %arg5[%add3A_212, %dma_start3A_214] : memref<65536x64xf32, #tpu.memory_space<hbm>> -> memref<128x64xf32, #tpu.memory_space<hbm>>
        tpu.enqueue_dma source(%arg9 : memref<128x64xf32, #tpu.memory_space<vmem>>) target(%dma_start3A_215 : memref<128x64xf32, #tpu.memory_space<hbm>>) target_semaphore(%run_scoped3A : memref<!tpu.dma_semaphore, #tpu.memory_space<semaphore_mem>>)
        %dma_wait3A = arith.constant 0 : i32
        %dma_wait3A_216 = tpu.memref_slice %arg5[%add3A_212, %dma_wait3A] : memref<65536x64xf32, #tpu.memory_space<hbm>> -> memref<128x64xf32, #tpu.memory_space<hbm>>
        %dma_wait3A_217 = arith.constant 0 : i32
        %dma_wait3A_218 = tpu.memref_slice %arg5[%add3A_212, %dma_wait3A_217] : memref<65536x64xf32, #tpu.memory_space<hbm>> -> memref<128x64xf32, #tpu.memory_space<hbm>>
        tpu.wait_dma2 semaphore(%run_scoped3A : memref<!tpu.dma_semaphore, #tpu.memory_space<semaphore_mem>>) src(%arg9 : memref<128x64xf32, #tpu.memory_space<vmem>>) dst(%dma_wait3A_218 : memref<128x64xf32, #tpu.memory_space<hbm>>)
        tpu.yield
      }) : () -> ()
    }
    %while3A_205 = arith.constant 1 : i32
    scf.for %while3A_206 = %while3A_203 to %while3A_199 step %while3A_205  : i32 {
      %mul3A_207 = arith.constant 2 : i32
      %mul3A_208 = arith.muli %mul3A_207, %while3A_206 : i32
      %add3A_209 = arith.addi %add3A_169, %mul3A_208 : i32
      %mul3A_210 = arith.constant 128 : i32
      %mul3A_211 = arith.muli %add3A_209, %mul3A_210 : i32
      %add3A_212 = arith.addi %mul3A_32, %mul3A_211 : i32
      "tpu.region"() ({
        %run_scoped3A = tpu.sem_alloc : memref<!tpu.dma_semaphore, #tpu.memory_space<semaphore_mem>>
        %dma_start3A = arith.constant 0 : i32
        %dma_start3A_213 = tpu.memref_slice %arg5[%add3A_212, %dma_start3A] : memref<65536x64xf32, #tpu.memory_space<hbm>> -> memref<128x64xf32, #tpu.memory_space<hbm>>
        %dma_start3A_214 = arith.constant 0 : i32
        %dma_start3A_215 = tpu.memref_slice %arg5[%add3A_212, %dma_start3A_214] : memref<65536x64xf32, #tpu.memory_space<hbm>> -> memref<128x64xf32, #tpu.memory_space<hbm>>
        tpu.enqueue_dma source(%arg9 : memref<128x64xf32, #tpu.memory_space<vmem>>) target(%dma_start3A_215 : memref<128x64xf32, #tpu.memory_space<hbm>>) target_semaphore(%run_scoped3A : memref<!tpu.dma_semaphore, #tpu.memory_space<semaphore_mem>>)
        %dma_wait3A = arith.constant 0 : i32
        %dma_wait3A_216 = tpu.memref_slice %arg5[%add3A_212, %dma_wait3A] : memref<65536x64xf32, #tpu.memory_space<hbm>> -> memref<128x64xf32, #tpu.memory_space<hbm>>
        %dma_wait3A_217 = arith.constant 0 : i32
        %dma_wait3A_218 = tpu.memref_slice %arg5[%add3A_212, %dma_wait3A_217] : memref<65536x64xf32, #tpu.memory_space<hbm>> -> memref<128x64xf32, #tpu.memory_space<hbm>>
        tpu.wait_dma2 semaphore(%run_scoped3A : memref<!tpu.dma_semaphore, #tpu.memory_space<semaphore_mem>>) src(%arg9 : memref<128x64xf32, #tpu.memory_space<vmem>>) dst(%dma_wait3A_218 : memref<128x64xf32, #tpu.memory_space<hbm>>)
        tpu.yield
      }) : () -> ()
    }
    return
  }
}

</mosaic_0001>

<sc_bundles>
// kernel: kernel.3.cloned.1.call-start
scs
__scs_entry_jumppad:
0x0: {  	(pc) =	sbr.rel $0x88, $3  }
0x1: {  	(tag) =	ssettag $0x0;
	lr =	simm.s32 $0x1  }
0x2: {  	[smem:$0x3F9E] =	sst lr;
	_ =	strace $0xD0000000  }
0x3: {  	_ = 	snop  }
0x4: {  	_ = 	snop  }
0x5: {  	_ = 	snop  }
0x6: {  	_ = 	snop  }
0x7: {  	_ = 	snop  }
__scs_overlays_trampoline_lowered:
0x8: {  	[smem:$0x3FAD] =	sst s0  }
0x9: {  	[smem:$0x3FAE] =	sst s1  }
0xa: {  	[smem:$0x3FAF] =	sst s2  }
0xb: {  	[smem:$0x3FB0] =	sst s3  }
0xc: {  	[smem:$0x3FB1] =	sst s4  }
0xd: {  	[smem:$0x3FB2] =	sst s5  }
0xe: {  	[smem:$0x3FB3] =	sst s6  }
0xf: {  	[smem:$0x3FB4] =	sst s7  }
0x10: {  	[smem:$0x3FB5] =	sst s8  }
0x11: {  	[smem:$0x3FB6] =	sst s9;
	s0 =	simm.s32 @!p0 $0x0  }
0x12: {  	s1 =	sld [smem:$0x3F9C];
	s0 =	simm.s32 @p0 $0x1  }
0x13: {  	[smem:$0x3FB7] =	sst s0;
	s0 =	simm.s32 @!p1 $0x0  }
0x14: {  	s2 =	sld [smem:$0x3F9B];
	s0 =	simm.s32 @p1 $0x1  }
0x15: {  	[smem:$0x3FB8] =	sst s0;
	s0 =	simm.s32 @!p2 $0x0  }
0x16: {  	s3 =	sld [smem:$0x3FDB];
	s0 =	simm.s32 @p2 $0x1  }
0x17: {  	s4 =	simm.s32 $0x1BF5;
	[smem:$0x3FBA] =	sst s0  }
0x18: {  	s0 =	sld [smem:$0x3F9D];
	_ =	swait.ge [sflag:s4], $0x0  }
0x19: {  	s7 =	sld [smem:$0x3F9E]  }
0x1a: {  	s8 =	sadd.s32 $0xFFFFE003, lr  }
0x1b: {  	s9 =	sadd.s32 $0xFFFFFEF7, lr;
	s5 =	simm.s32 $0xFFFFFFFF;
	p2 =	slt.u32 s8, $0xFFFFF086  }
0x1c: {  	p1 =	slt.u32 s9, $0xF7A;
	s5 =	simm.s32 @!p2 $0x0  }
0x1d: {  	s5 =	simm.s32 @p1 $0x1;
	p0 =	seq.s32 s7, s2  }
0x1e: {  	s7 =	smul.u32 @!p0 $0xF7A, s2;
	p2 =	seq.s32 @!p0 s5, $0x0  }
0x1f: {  	s9 =	smul.u32 $0xF7A, s1;
	s8 =	simm.s32 @!p0 $0x1BF5;
	p2 =	por !p2, p0  }
0x20: {  	[sflag:s8] =	ssyncset.s32 @!p0 $0xFFFFF086;
	s6 =	sadd.s32 @!p0 s3, s7;
	s7 =	simm.s32 @!p0 $0x108  }
0x21: {  	s3 =	sadd.s32 s3, s9;
	s6 =	sadd.s32 @!p0 $0x88, s6;
	s7 =	simm.s32 @p2 $0x1082  }
0x22: {  	[simem:s7], [sflag:s8] =	dma.local @!p0 [hbm:s6], $0xF7A  }
0x23: {  	s9 =	sor.u32 $0xD0000000, s2;
	s6 =	simm.s32 $0x108;
	_ =	swait.ge @!p0 [sflag:s8], $0x0  }
0x24: {  	s3 =	sadd.s32 $0x88, s3;
	s6 =	simm.s32 @!p1 $0x1082;
	[sflag:s4] =	ssyncset.s32 $0xFFFFF086  }
0x25: {  	[simem:s6], [sflag:s4] =	dma.local [hbm:s3], $0xF7A  }
0x26: {  	[smem:$0x3F9E] =	sst s1;
	(tag) =	ssettag s2;
	_ =	strace s9  }
0x27: {  	s1 =	sld [smem:$0x3FAE]  }
0x28: {  	s2 =	sld [smem:$0x3FAF]  }
0x29: {  	s4 =	sld [smem:$0x3FB1]  }
0x2a: {  	p0 =	seq.s32 s5, $0x0;
	s5 =	sld [smem:$0x3FB2]  }
0x2b: {  	s6 =	sld [smem:$0x3FB3]  }
0x2c: {  	s7 =	sld [smem:$0x3FB4]  }
0x2d: {  	s3 =	simm.s32 $0x108;
	s8 =	sld [smem:$0x3FB5]  }
0x2e: {  	s3 =	simm.s32 @!p0 $0x1082;
	s9 =	sld [smem:$0x3FB6]  }
0x2f: {  	lr =	sadd.s32 s0, s3;
	s0 =	sld [smem:$0x3FAD]  }
0x30: {  	s3 =	sld [smem:$0x3FB0]  }
0x31: {  	[smem:$0x3FB9] =	sst s10  }
0x32: {  	s10 =	sld [smem:$0x3FB7];
	_ =	sdelay $0x3  }
0x33: {  	p0 =	seq.s32 s10, $0x1;
	s10 =	sld [smem:$0x3FB9];
	_ =	sdelay $0x3  }
0x34: {  	[smem:$0x3FB9] =	sst s10  }
0x35: {  	s10 =	sld [smem:$0x3FB8];
	_ =	sdelay $0x3  }
0x36: {  	p1 =	seq.s32 s10, $0x1;
	s10 =	sld [smem:$0x3FB9];
	_ =	sdelay $0x3  }
0x37: {  	[smem:$0x3FB9] =	sst s10  }
0x38: {  	s10 =	sld [smem:$0x3FBA]  }
0x39: {  	_ = 	snop;
	(pc) =	sbr.ind lr, $3  }
0x3a: {  	_ = 	snop  }
0x3b: {  	_ = 	snop  }
0x3c: {  	p2 =	seq.s32 s10, $0x1;
	s10 =	sld [smem:$0x3FB9]  }
0x3d: {  	_ =	shalt  }
0x3e: {  	_ =	shalt  }
0x3f: {  	_ =	shalt  }
0x40: {  	_ =	shalt  }
0x41: {  	_ =	shalt  }
0x42: {  	_ =	shalt  }
0x43: {  	_ =	shalt  }
0x44: {  	_ =	shalt  }
0x45: {  	_ =	shalt  }
0x46: {  	_ =	shalt  }
0x47: {  	_ =	shalt  }
0x48: {  	_ =	shalt  }
0x49: {  	_ =	shalt  }
0x4a: {  	_ =	shalt  }
0x4b: {  	_ =	shalt  }
0x4c: {  	_ =	shalt  }
0x4d: {  	_ =	shalt  }
0x4e: {  	_ =	shalt  }
0x4f: {  	_ =	shalt  }
0x50: {  	_ =	shalt  }
0x51: {  	_ =	shalt  }
0x52: {  	_ =	shalt  }
0x53: {  	_ =	shalt  }
0x54: {  	_ =	shalt  }
0x55: {  	_ =	shalt  }
0x56: {  	_ =	shalt  }
0x57: {  	_ =	shalt  }
0x58: {  	_ =	shalt  }
0x59: {  	_ =	shalt  }
0x5a: {  	_ =	shalt  }
0x5b: {  	_ =	shalt  }
0x5c: {  	_ =	shalt  }
0x5d: {  	_ =	shalt  }
0x5e: {  	_ =	shalt  }
0x5f: {  	_ =	shalt  }
0x60: {  	_ =	shalt  }
0x61: {  	_ =	shalt  }
0x62: {  	_ =	shalt  }
0x63: {  	_ =	shalt  }
0x64: {  	_ =	shalt  }
0x65: {  	_ =	shalt  }
0x66: {  	_ =	shalt  }
0x67: {  	_ =	shalt  }
0x68: {  	_ =	shalt  }
0x69: {  	_ =	shalt  }
0x6a: {  	_ =	shalt  }
0x6b: {  	_ =	shalt  }
0x6c: {  	_ =	shalt  }
0x6d: {  	_ =	shalt  }
0x6e: {  	_ =	shalt  }
0x6f: {  	_ =	shalt  }
0x70: {  	_ =	shalt  }
0x71: {  	_ =	shalt  }
0x72: {  	_ =	shalt  }
0x73: {  	_ =	shalt  }
0x74: {  	_ =	shalt  }
0x75: {  	_ =	shalt  }
0x76: {  	_ =	shalt  }
0x77: {  	_ =	shalt  }
0x78: {  	_ =	shalt  }
0x79: {  	_ =	shalt  }
0x7a: {  	_ =	shalt  }
0x7b: {  	_ =	shalt  }
0x7c: {  	_ =	shalt  }
0x7d: {  	_ =	shalt  }
0x7e: {  	_ =	shalt  }
0x7f: {  	_ =	shalt  }
0x80: {  	_ =	shalt  }
0x81: {  	_ =	shalt  }
0x82: {  	_ =	shalt  }
0x83: {  	_ =	shalt  }
0x84: {  	_ =	shalt  }
0x85: {  	_ =	shalt  }
0x86: {  	_ =	shalt  }
0x87: {  	_ =	shalt  }
.Lfunc_end0:
.L_simem_size_0:
called_computation_lowered:
.L_overlay_start_0:
0x88: {  	s2 =	sld [smem:$0x3FD9]  }
0x89: {  	s3 =	sld [smem:$0x3FFE];
	_ =	sdelay $0x1  }
0x8a: {  	s1 =	srdreg.scid  }
0x8b: {  	s0 =	sand.u32 $0x1, s1  }
0x8c: {  	s17 =	sshll.u32 s0, $0xA;
	s2 =	sadd.s32 s3, s2  }
0x8d: {  	s2 =	sadd.s32 s2, s17  }
0x8e: {  	[smem:$0x3FC5] =	sst s2  }
0x8f: {  	_ = 	snop  }
0x90: {  	s2 =	sld [smem:$0x3FD0];
	(tm) =	ssettm $0x1  }
0x91: {  	s18 =	sld [smem:$0x3FFB];
	_ =	sdelay $0x3  }
0x92: {  	_ =	strace s18  }
0x93: {  	s3 =	sld [smem:$0x3FFC];
	_ =	sdelay $0x3  }
0x94: {  	_ =	strace s3  }
0x95: {  	s3 =	sld [smem:$0x3FFD];
	_ =	sdelay $0x3  }
0x96: {  	_ =	strace s3  }
0x97: {  	_ =	strace $0x8FFFFFFF  }
0x98: {  	s19 =	sld [smem:$0x3FDB];
	_ =	sdelay $0x1  }
0x99: {  	s4 =	simm.s32 $_scs_section_size  }
0x9a: {  	s5 =	simm.s32 $_size__tile_overlayer_lowered;
	s6 =	simm.s32 $_tile_overlayer_lowered  }
0x9b: {  	s22 =	simm.s32 $0x1BFF;
	s21 =	sshll.u32 s6, $0x1;
	s3 =	sadd.s32 s4, s19  }
0x9c: {  	s7 =	simm.s32 $0x0;
	s20 =	sshll.u32 s5, $0x1;
	s5 =	sadd.s32 s21, s3  }
0x9d: {  	[timem:s7], [sflag:s22] =	dma.local [hbm:s5], s20  }
0x9e: {  	_ =	swait.ge [sflag:s22], s20  }
0x9f: {  	s4 =	ssub.s32 $0x0, s20;
	[sflag:s22] =	ssyncset.done $0x0  }
0xa0: {  	[sflag:s22] =	ssyncadd.s32 s4;
	_ =	sdelay $0x1  }
0xa1: {  	s23 =	simm.s32 $0x1B8B  }
0xa2: {  	_ =	swait.ge [sflag:s23], $0x1  }
0xa3: {  	[sflag:s23] =	ssyncset.done $0x0  }
0xa4: {  	s25 =	simm.s32 $0x1B8E;
	s24 =	sld [smem:$0x3FFE];
	[sflag:s23] =	ssyncadd.s32 $0xFFFFFFFF  }
0xa5: {  	s26 =	simm.s32 $execute0_lowered;
	[smem:$0x3FD2] =	sst s25  }
0xa6: {  	s5 =	sshll.u32 s26, $0x1;
	_ =	strace $0x80000046;
	[dreg:$0x1] =	wrdreg $0xFFFFFFFF  }
0xa7: {  	s28 =	simm.s32 $_size_execute0_lowered;
	s3 =	sadd.s32 s3, s5;
	[dreg:$0x0] =	wrdreg $0x0  }
0xa8: {  	s5 =	sshll.u32 s28, $0x1;
	[dreg:$0x2] =	wrdreg s3  }
0xa9: {  	[dreg:$0x3] =	wrdreg s5  }
0xaa: {  	[dreg:$0x4] =	wrdreg $0xC0  }
0xab: {  	_ =	task [dreg:s7], $0x5FFFF  }
0xac: {  	[dreg:$0x1] =	wrdreg $0xFFFFFFFF  }
0xad: {  	[dreg:$0x0] =	wrdreg $0x60  }
0xae: {  	[dreg:$0x2] =	wrdreg s2  }
0xaf: {  	[dreg:$0x3] =	wrdreg s24  }
0xb0: {  	[dreg:$0x4] =	wrdreg $0x9  }
0xb1: {  	_ =	task.clear_ibuf [dreg:s7], $0x5FFFF;
	_ =	strace $0x90000046  }
0xb2: {  	s29 =	simm.s32 $0x9;
	_ =	strace $0x80000048  }
0xb3: {  	_ =	swait.ge [sflag:s29], $0x1  }
0xb4: {  	[sflag:s29] =	ssyncadd.s32 $0xFFFFFFFF  }
0xb5: {  	_ =	strace $0x90000048  }
0xb6: {  	_ =	sfence  }
0xb7: {  	s30 =	sld [smem:$0x0];
	_ =	sdelay $0x2  }
0xb8: {  	s31 =	sshll.u32 s1, $0xD;
	s1 =	sshrl.u32 s1, $0x2  }
0xb9: {  	s3 =	sand.u32 $0x4000, s31;
	s1 =	sadd.s32 s1, s30  }
0xba: {  	s0 =	sor.u32 s3, s0;
	s1 =	sshll.u32 s1, $0x11  }
0xbb: {  	s0 =	sor.u32 s1, s0  }
0xbc: {  	s0 =	sadd.s32 $0x8F2B, s0  }
0xbd: {  	[sflag:s0] =	ssyncadd.remote.s32 $0x1  }
0xbe: {  	_ =	sfence.sel $0xFFFF  }
0xbf: {  	[dreg:$0x0] =	wrdreg $0xFFFFFFFF;
	(pc) =	sbr.abs _section_cstart, $3  }
0xc0: {  	[dreg:$0x1] =	wrdreg $0xFFFFFFFF  }
0xc1: {  	_ =	task.clear_ibuf [dreg:s7], $0x2FFFF;
	_ =	strace $0x9FFFFFFF  }
0xc2: {  	(tm) =	ssettm $0x7FFFFFFF  }
0xc3: {  	_ =	shalt  }
tec
execute0_lowered:
.L_overlay_start_1:
0x0: {  	(tag) =	ssettag $0x1  }
0x1: {  	s13 =	srdreg.scid;
	s4 =	rddreg [dreg:$0x0]  }
0x2: {  	s3 =	stileid.u32;
	s1 =	rddreg [dreg:$0x1]  }
0x3: {  	s5 =	simm.s32 $0x0;
	s7 =	simm.s32 $0x1;
	s19 =	simm.s32 $0x4  }
0x4: {  	s20 =	simm.s32 $0x6000;
	s21 =	simm.s32 $0x1000;
	s2 =	sand.u32 $0x1, s13  }
0x5: {  	s8 =	simm.s32 $0x80;
	[smem:$0x7FF] =	sst s5;
	s0 =	sor.u32 s2, s3  }
0x6: {  	s16 =	sadd.s32 $0x2600, s1;
	p1 =	seq.s32 s2, $0x1;
	p0 =	seq.s32 s0, $0x0  }
0x7: {  	s9 =	sadd.s32 $0x2A00, s1;
	_ =	strace $0x80000047;
	p0 =	por !p0, !p1  }
0x8: {  	s14 =	sshll.u32 s2, $0x7;
	s0 =	simm.s32 $0x1;
	p0 =	por !p0, !p0  }
0x9: {  	s10 =	ssub.s32 $0x2, s2;
	s30 =	sor.u32 $0x1200, s14;
	s0 =	simm.s32 @!p0 $0x0  }
0xa: {  	s22 =	sor.u32 $0x1000, s14;
	[dreg:$0x9] =	wrdreg s30;
	s0 =	ssub.s32 s3, s0  }
0xb: {  	s17 =	sor.u32 $0x1100, s14;
	[dreg:$0x4] =	wrdreg s22;
	s6 =	sshll.u32 s0, $0xC  }
0xc: {  	s25 =	sshrl.u32 s10, $0x1;
	[dreg:$0x6] =	wrdreg s17;
	s24 =	sshrl.u32 s6, $0x3  }
0xd: {  	s11 =	sor.u32 s6, s14;
	s3 =	sadd.s32 s24, s1;
	s1 =	ssub.s32 s10, s25  }
0xe: {  	s26 =	sshll.u32 s11, $0x3;
	s24 =	sshll.u32 s0, $0xF;
	s11 =	smax.u32 s1, $0x1  }
.Ltmp0:
0xf: {  	s31 =	sor.u32 $0x1000, s26;
	[dreg:$0x8] =	wrdreg s24;
	(pc) =	sbr.rel .LBB2_1-.Ltmp0, $4  }
0x10: {  	s28 =	sand.u32 $0x1FFF8400, s26;
	s15 =	sor.u32 $0x800, s26;
	[dreg:$0xa] =	wrdreg s31  }
0x11: {  	s12 =	sadd.s32 s9, s28;
	s29 =	sand.u32 $0x1FFF8C00, s15;
	[dreg:$0x3] =	wrdreg s11  }
0x12: {  	vm0 =	vcmask $0x300;
	v0 =	vimm.f32 $0.0e+00;
	s23 =	simm.s32 $0x2000;
	s18 =	sadd.s32 s9, s29;
	[dreg:$0x5] =	wrdreg s12  }
0x13: {  	v2 =	vlaneseq.u32;
	v3 =	vsel vm0, $0x3F800000, v0;
	v1 =	vmov s6;
	s25 =	simm.s32 $0x0;
	s10 =	sadd.s32 $0x600, s3;
	[dreg:$0x7] =	wrdreg s18  }
.LBB2_28:
0x14: {  	[sflag:s19] =	ssyncadd.s32 $0xFFFFE000  }
.LBB2_29:
0x15: {  	s25 =	sadd.s32 $0x1, s25  }
0x16: {  	p0 =	sne.s32 s25, s11  }
.Ltmp1:
0x17: {  	_ = 	snop;
	(pc) =	sbr.rel @!p0 .LBB2_30-.Ltmp1, $1  }
0x18: {  	_ =	sdelay $0x3  }
.LBB2_1:
0x19: {  	[tilespmem:s5], [sflag:$0x4] =	stream.linear.gather [hbm4b:s10+s5], $0x1000, $0x38;
	[tilespmem:$0x8000] =	vst v63  }
0x1a: {  	_ =	swait.ge [sflag:s19], $0x1000  }
0x1b: {  	[sflag:s19] =	ssyncset.done $0x0  }
0x1c: {  	[sflag:s19] =	ssyncadd.s32 $0xFFFFF000  }
0x1d: {  	[tilespmem:s20], [sflag:$0x4] =	stream.linear.gather [hbm4b:s16+s5], $0x2000, $0x38;
	[tilespmem:$0x8000] =	vst v63  }
0x1e: {  	_ =	swait.ge [sflag:s19], $0x2000  }
0x1f: {  	[sflag:s19] =	ssyncset.done $0x0  }
0x20: {  	s0 =	simm.s32 $0x0;
	[sflag:s19] =	ssyncadd.s32 $0xFFFFE000  }
.LBB2_2:
0x21: {  	p0 =	sne.s32 s0, $0x3FC0  }
.Ltmp2:
0x22: {  	_ = 	snop;
	(pc) =	sbr.rel @p0 .LBB2_2-.Ltmp2, $3  }
0x23: {  	_ =	sdelay $0x1  }
0x24: {  	s1 =	sshra.s32 s0, $0x2  }
0x25: {  	s0 =	sadd.s32 $0x40, s0;
	[tilespmem:s1+$0x1000] =	vst v1  }
0x26: {  	s0 =	simm.s32 $0x0  }
0x27: {  	v4 =	vld [tilespmem:s0+$0x0];
	_ =	sdelay $0x4  }
0x28: {  	(xrf0) =	vadd.scan.msk.s32 $0xffff, v4;
	_ =	sdelay $0x5  }
0x29: {  	v5, _, _ =	vpop (xrf0)  }
0x2a: {  	v6 =	vxor.u32 $0x80000000, v5  }
0x2b: {  	(xrf0) =	vmax.scan.msk.u32 $0xffff, v6;
	_ =	sdelay $0x2  }
0x2c: {  	s31 =	simm.s32 $0xFFFFFFFF;
	vm0 =	vgt.s32 v4, $0x0  }
0x2d: {  	v4 =	vadd.s32 s31, v5;
	_ =	sdelay $0x1  }
0x2e: {  	v5, _, _ =	vpop (xrf0)  }
0x2f: {  	(v2sf) =	vpush v5, $0xF  }
0x30: {  	v63 =	vor.u32 s6, v2;
	s14 =	simm.s32 $0x0  }
0x31: {  	s15 =	simm.s32 $0x80;
	s3 =	smov.u32 s6;
	s0 =	simm.s32 $0x10;
	[tilespmem:v4+s21+$0x0] =	vst.idx.msk vm0, v63  }
.LBB2_4:
0x32: {  	p0 =	sne.s32 s15, $0x3FC0;
	v4 =	vld [tilespmem:s0+$0x0];
	_ =	sdelay $0x4  }
0x33: {  	vm0 =	vgt.s32 v4, $0x0;
	(xrf0) =	vadd.scan.msk.s32 $0xffff, v4;
	_ =	sdelay $0x5  }
0x34: {  	v4, _, _ =	vpop (xrf0)  }
0x35: {  	v5 =	vxor.u32 $0x80000000, v4;
	s0 =	spop (v2sf)  }
0x36: {  	(xrf0) =	vmax.scan.msk.u32 $0xffff, v5;
	s0 =	sadd.s32 s0, s14  }
0x37: {  	s14 =	sadd.s32 $0x80000000, s0  }
0x38: {  	s0 =	sadd.s32 $0xFFFFFFFF, s14  }
0x39: {  	v4 =	vadd.s32 s0, v4;
	_ =	sdelay $0x1  }
.Ltmp3:
0x3a: {  	(pc) =	sbr.rel @p0 .LBB2_4-.Ltmp3, $4  }
0x3b: {  	s3 =	sadd.s32 $0x10, s3;
	v5, _, _ =	vpop (xrf0)  }
0x3c: {  	v6 =	vor.u32 s3, v2;
	(v2sf) =	vpush v5, $0xF  }
0x3d: {  	[tilespmem:v4+s21+$0x0] =	vst.idx.msk vm0, v6  }
0x3e: {  	s0 =	sshra.s32 s15, $0x2;
	s15 =	sadd.s32 $0x40, s15  }
0x3f: {  	v4 =	vld [tilespmem:s0+$0x0];
	_ =	sdelay $0x4  }
0x40: {  	(xrf0) =	vadd.scan.msk.s32 $0xffff, v4;
	_ =	sdelay $0x5  }
0x41: {  	v5, _, _ =	vpop (xrf0)  }
0x42: {  	v6 =	vxor.u32 $0x80000000, v5  }
0x43: {  	(xrf0) =	vmax.scan.msk.u32 $0xffff, v6;
	_ =	sdelay $0x5  }
0x44: {  	v6, _, _ =	vpop (xrf0)  }
0x45: {  	(v2sf) =	vpush v6, $0xF;
	_ =	sdelay $0xc  }
0x46: {  	s1 =	spop (v2sf)  }
0x47: {  	s0 =	sadd.s32 s1, s14  }
0x48: {  	s28 =	sadd.s32 $0x80000000, s0;
	s29 =	spop (v2sf)  }
0x49: {  	s0 =	sadd.s32 s29, s28  }
0x4a: {  	s30 =	sadd.s32 $0x80000000, s0  }
0x4b: {  	s0 =	sand.u32 $0x7F, s30  }
0x4c: {  	s1 =	sshra.s32 s30, $0x1F;
	p0 =	slt.s32 s30, $0x1;
	p1 =	sne.s32 s0, $0x0  }
0x4d: {  	s14 =	sshrl.u32 s1, $0x19;
	p0 =	por !p0, !p1  }
0x4e: {  	s1 =	simm.s32 $0x1;
	s0 =	sadd.s32 s14, s30;
	p0 =	por !p0, !p0  }
0x4f: {  	s0 =	sshra.s32 s0, $0x7;
	s1 =	simm.s32 @!p0 $0x0  }
0x50: {  	s26 =	ssub.s32 s0, s1  }
0x51: {  	s0 =	ssub.s32 s26, s2  }
0x52: {  	s1 =	sadd.s32 $0x1, s0  }
0x53: {  	s15 =	sand.u32 $0x1, s1  }
0x54: {  	p5 =	slt.s32 s0, $0x0;
	p6 =	seq.s32 s15, $0x1  }
0x55: {  	s15 =	sshrl.u32 s1, $0x1F;
	p0 =	por !p5, !p6  }
0x56: {  	s0 =	sadd.s32 s15, s1;
	s1 =	simm.s32 $0x1;
	p0 =	por !p0, !p0  }
0x57: {  	s0 =	sshra.s32 s0, $0x1;
	s1 =	simm.s32 @!p0 $0x0  }
0x58: {  	vm0 =	vgt.s32 v4, $0x0;
	s14 =	sadd.s32 $0xFFFFFFFF, s28;
	s31 =	ssub.s32 s0, s1  }
0x59: {  	v4 =	vadd.s32 s14, v5;
	p0 =	slt.s32 s31, $0x1  }
.Ltmp4:
0x5a: {  	_ = 	snop;
	(pc) =	sbr.rel @p0 .LBB2_19-.Ltmp4, $4  }
0x5b: {  	_ = 	snop  }
0x5c: {  	s3 =	sadd.s32 $0x10, s3  }
0x5d: {  	v5 =	vor.u32 s3, v2  }
0x5e: {  	[tilespmem:v4+s21+$0x0] =	vst.idx.msk vm0, v5  }
0x5f: {  	[tilespmem:s23], [sflag:$0x1] =	stream.indirect.gather [hbm4b:s4+s8], $0x40, s22, s8, $0xb8;
	[tilespmem:$0x8000] =	vst v63  }
0x60: {  	p0 =	seq.s32 s31, $0x1  }
.Ltmp5:
0x61: {  	_ = 	snop;
	(pc) =	sbr.rel @p0 .LBB2_18-.Ltmp5, $4  }
0x62: {  	_ =	swait.ge [sflag:s7], $0x2000  }
0x63: {  	[sflag:s7] =	ssyncset.done $0x0  }
0x64: {  	s0 =	simm.s32 $0x2;
	[sflag:s7] =	ssyncadd.s32 $0xFFFFE000  }
0x65: {  	[hbm4b:s12+s5] =	stream.linear.scatter [tilespmem:s23], [sflag:$0x2], $0x2000, $0x38;
	[tilespmem:$0x8000] =	vst v63  }
0x66: {  	s0 =	simm.s32 $0x4000;
	p0 =	seq.s32 s31, $0x2  }
0x67: {  	[tilespmem:s0], [sflag:$0x1] =	stream.indirect.gather [hbm4b:s4+s8], $0x40, s17, s8, $0xb8;
	[tilespmem:$0x8000] =	vst v63  }
.Ltmp6:
0x68: {  	_ = 	snop;
	(pc) =	sbr.rel @p0 .LBB2_16-.Ltmp6, $4  }
0x69: {  	_ =	swait.ge [sflag:s7], $0x2000  }
0x6a: {  	[sflag:s7] =	ssyncset.done $0x0  }
0x6b: {  	s3 =	simm.s32 $0x2;
	[sflag:s7] =	ssyncadd.s32 $0xFFFFE000  }
0x6c: {  	[hbm4b:s18+s5] =	stream.linear.scatter [tilespmem:s0], [sflag:$0x3], $0x2000, $0x38;
	[tilespmem:$0x8000] =	vst v63  }
0x6d: {  	p0 =	sne.s32 s31, $0x3  }
.Ltmp7:
0x6e: {  	_ = 	snop;
	(pc) =	sbr.rel @!p0 .LBB2_9-.Ltmp7, $3  }
0x6f: {  	_ =	sdelay $0x1  }
0x70: {  	s1 =	sand.u32 $0x1, s3  }
0x71: {  	s0 =	simm.s32 $0x3;
	p1 =	por $0x0, $0x0;
	p3 =	seq.s32 s1, $0x0  }
0x72: {  	s11 =	smov.u32 s10;
	s1 =	simm.s32 @p3 $0x2  }
0x73: {  	s10 =	smov.u32 s16;
	p0 =	por p3, p3;
	_ =	swait.ge @p3 [sflag:s1], $0x2000  }
0x74: {  	s14 =	simm.s32 @p0 $0x1;
	s15 =	simm.s32 @p0 $0x2000;
	[sflag:s1] =	ssyncset.done @p0 $0x0  }
0x75: {  	s8 =	rddreg [dreg:$0x9];
	[sflag:s1] =	ssyncadd.s32 @p0 $0xFFFFE000;
	s1 =	simm.s32 @p0 $0x80  }
0x76: {  	[tilespmem:s15], [sflag:$0x1] =	stream.indirect.gather @p0 [hbm4b:s4+s1], $0x40, s8, s1, $0xb8;
	[tilespmem:$0x8000] =	vst v63  }
0x77: {  	p2 =	sne.s32 s31, $0x4;
	s0 =	sand.u32 $0x1, s0;
	_ =	swait.ge @p0 [sflag:s14], $0x2000  }
0x78: {  	p1 =	por $0x1, $0x1;
	s17 =	simm.s32 @!p0 $0x3;
	s12 =	rddreg [dreg:$0xa]  }
0x79: {  	s24 =	simm.s32 @!p0 $0x1;
	[sflag:s14] =	ssyncset.done @p0 $0x0;
	s1 =	sand.u32 @p0 $0x1FFFF400, s12  }
0x7a: {  	[sflag:s14] =	ssyncadd.s32 @p0 $0xFFFFE000;
	s14 =	simm.s32 @p0 $0x0;
	s1 =	sadd.s32 @p0 s9, s1  }
0x7b: {  	[hbm4b:s1+s14] =	stream.linear.scatter @p0 [tilespmem:s15], [sflag:$0x2], $0x2000, $0x38;
	[tilespmem:$0x8000] =	vst v63  }
0x7c: {  	p3 =	seq.s32 s0, $0x0;
	s18 =	sadd.s32 $0x800, s12;
	_ =	swait.ge @!p0 [sflag:s17], $0x2000  }
.Ltmp8:
0x7d: {  	s12 =	sand.u32 @!p0 $0x1FFFFC00, s12;
	[sflag:s17] =	ssyncset.done @!p0 $0x0;
	(pc) =	sbr.rel @!p2 .LBB2_11-.Ltmp8, $4  }
0x7e: {  	s1 =	simm.s32 @!p0 $0x4000;
	[sflag:s17] =	ssyncadd.s32 @!p0 $0xFFFFE000;
	s17 =	simm.s32 @!p0 $0x80  }
0x7f: {  	[tilespmem:s1], [sflag:$0x1] =	stream.indirect.gather @!p0 [hbm4b:s4+s17], $0x40, s8, s17, $0xb8;
	[tilespmem:$0x8000] =	vst v63  }
0x80: {  	s0 =	sadd.s32 @!p0 s9, s12;
	s14 =	simm.s32 $0x4;
	_ =	swait.ge @!p0 [sflag:s24], $0x2000  }
0x81: {  	s15 =	simm.s32 @!p0 $0x0;
	s17 =	sadd.s32 $0x100, s8;
	[sflag:s24] =	ssyncset.done @!p0 $0x0  }
.LBB2_12:
0x82: {  	s12 =	simm.s32 @p3 $0x2;
	[sflag:s24] =	ssyncadd.s32 @!p0 $0xFFFFE000;
	s13 =	smov.u32 s14  }
0x83: {  	s14 =	sadd.s32 $0x1, s14;
	s16 =	smov.u32 s18;
	s22 =	smov.u32 s17  }
0x84: {  	[hbm4b:s0+s15] =	stream.linear.scatter @!p0 [tilespmem:s1], [sflag:$0x3], $0x2000, $0x38;
	[tilespmem:$0x8000] =	vst v63  }
0x85: {  	p2 =	sne.s32 s31, s14;
	p0 =	por p3, p3;
	_ =	swait.ge @p3 [sflag:s12], $0x2000  }
0x86: {  	s0 =	simm.s32 @p0 $0x1;
	[sflag:s12] =	ssyncset.done @p0 $0x0  }
0x87: {  	s1 =	simm.s32 @p0 $0x80;
	[sflag:s12] =	ssyncadd.s32 @p0 $0xFFFFE000;
	s12 =	simm.s32 @p0 $0x2000  }
0x88: {  	[tilespmem:s12], [sflag:$0x1] =	stream.indirect.gather @p0 [hbm4b:s4+s1], $0x40, s17, s1, $0xb8;
	[tilespmem:$0x8000] =	vst v63  }
0x89: {  	s18 =	sadd.s32 $0x800, s18;
	_ =	swait.ge @p0 [sflag:s0], $0x2000  }
0x8a: {  	s8 =	simm.s32 @!p0 $0x3;
	s1 =	sand.u32 @p0 $0x1FFFF400, s16;
	[sflag:s0] =	ssyncset.done @p0 $0x0  }
0x8b: {  	[sflag:s0] =	ssyncadd.s32 @p0 $0xFFFFE000;
	s0 =	sadd.s32 @p0 s9, s1;
	s1 =	simm.s32 @p0 $0x0  }
0x8c: {  	[hbm4b:s0+s1] =	stream.linear.scatter @p0 [tilespmem:s12], [sflag:$0x2], $0x2000, $0x38;
	[tilespmem:$0x8000] =	vst v63  }
0x8d: {  	s15 =	simm.s32 @!p0 $0x0;
	s17 =	sadd.s32 $0x100, s17;
	_ =	swait.ge @!p0 [sflag:s8], $0x2000  }
.Ltmp9:
0x8e: {  	s24 =	simm.s32 @!p0 $0x1;
	[sflag:s8] =	ssyncset.done @!p0 $0x0;
	(pc) =	sbr.rel @p2 .LBB2_12-.Ltmp9, $4  }
0x8f: {  	s0 =	simm.s32 @!p0 $0x80;
	s1 =	simm.s32 @!p0 $0x4000;
	[sflag:s8] =	ssyncadd.s32 @!p0 $0xFFFFE000  }
0x90: {  	[tilespmem:s1], [sflag:$0x1] =	stream.indirect.gather @!p0 [hbm4b:s4+s0], $0x40, s22, s0, $0xb8;
	[tilespmem:$0x8000] =	vst v63  }
0x91: {  	s8 =	sand.u32 @!p0 $0x1FFFFC00, s16;
	s0 =	sand.u32 $0x1, s13;
	_ =	swait.ge @!p0 [sflag:s24], $0x2000  }
0x92: {  	p3 =	seq.s32 s0, $0x0;
	s0 =	sadd.s32 @!p0 s9, s8;
	[sflag:s24] =	ssyncset.done @!p0 $0x0  }
0x93: {  	s16 =	smov.u32 s10;
	s10 =	smov.u32 s11;
	s11 =	rddreg [dreg:$0x3]  }
0x94: {  	s13 =	srdreg.scid;
	s22 =	rddreg [dreg:$0x4]  }
.LBB2_14:
0x95: {  	p0 =	por p0, !p1  }
0x96: {  	s8 =	simm.s32 @p3 $0x2;
	[sflag:s24] =	ssyncadd.s32 @!p0 $0xFFFFE000  }
0x97: {  	[hbm4b:s0+s15] =	stream.linear.scatter @!p0 [tilespmem:s1], [sflag:$0x3], $0x2000, $0x38;
	[tilespmem:$0x8000] =	vst v63  }
0x98: {  	p0 =	por p3, p3;
	_ =	swait.ge @p3 [sflag:s8], $0x2000  }
0x99: {  	s0 =	simm.s32 @p0 $0x1;
	[sflag:s8] =	ssyncset.done @p0 $0x0  }
0x9a: {  	s1 =	simm.s32 @p0 $0x80;
	[sflag:s8] =	ssyncadd.s32 @p0 $0xFFFFE000;
	s8 =	simm.s32 @p0 $0x2000  }
0x9b: {  	[tilespmem:s8], [sflag:$0x1] =	stream.indirect.gather @p0 [hbm4b:s4+s1], $0x40, s17, s1, $0xb8;
	[tilespmem:$0x8000] =	vst v63  }
0x9c: {  	_ =	swait.ge @p0 [sflag:s0], $0x2000  }
0x9d: {  	s12 =	simm.s32 @!p0 $0x3;
	s1 =	sand.u32 @p0 $0x1FFFF400, s18;
	[sflag:s0] =	ssyncset.done @p0 $0x0  }
0x9e: {  	[sflag:s0] =	ssyncadd.s32 @p0 $0xFFFFE000;
	s0 =	sadd.s32 @p0 s9, s1;
	s1 =	simm.s32 @p0 $0x0  }
0x9f: {  	[hbm4b:s0+s1] =	stream.linear.scatter @p0 [tilespmem:s8], [sflag:$0x2], $0x2000, $0x38;
	[tilespmem:$0x8000] =	vst v63  }
0xa0: {  	_ =	swait.ge @!p0 [sflag:s12], $0x2000  }
0xa1: {  	s0 =	simm.s32 @!p0 $0x1;
	[sflag:s12] =	ssyncset.done @!p0 $0x0  }
0xa2: {  	s1 =	simm.s32 @!p0 $0x80;
	s8 =	simm.s32 @!p0 $0x4000;
	[sflag:s12] =	ssyncadd.s32 @!p0 $0xFFFFE000  }
0xa3: {  	[tilespmem:s8], [sflag:$0x1] =	stream.indirect.gather @!p0 [hbm4b:s4+s1], $0x40, s17, s1, $0xb8;
	[tilespmem:$0x8000] =	vst v63  }
0xa4: {  	_ =	swait.ge @!p0 [sflag:s0], $0x2000  }
0xa5: {  	s31 =	sand.u32 $0x1, s31;
	s1 =	sand.u32 @!p0 $0x1FFFFC00, s18;
	[sflag:s0] =	ssyncset.done @!p0 $0x0  }
0xa6: {  	s12 =	simm.s32 @!p0 $0x0;
	s1 =	sadd.s32 @!p0 s9, s1;
	[sflag:s0] =	ssyncadd.s32 @!p0 $0xFFFFE000  }
0xa7: {  	[hbm4b:s1+s12] =	stream.linear.scatter @!p0 [tilespmem:s8], [sflag:$0x3], $0x2000, $0x38;
	[tilespmem:$0x8000] =	vst v63  }
0xa8: {  	p0 =	seq.s32 s31, $0x1  }
.Ltmp10:
0xa9: {  	_ = 	snop;
	(pc) =	sbr.rel @!p0 .LBB2_16-.Ltmp10, $4  }
0xaa: {  	s17 =	rddreg [dreg:$0x6]  }
0xab: {  	s18 =	rddreg [dreg:$0x7]  }
0xac: {  	s24 =	rddreg [dreg:$0x8]  }
0xad: {  	s12 =	rddreg [dreg:$0x5];
	s8 =	simm.s32 $0x80  }
.Ltmp11:
0xae: {  	(pc) =	sbr.rel .LBB2_17-.Ltmp11, $2  }
0xaf: {  	_ =	sdelay $0x2  }
0xb0: {  	s0 =	simm.s32 $0x2;
	s3 =	simm.s32 $0x3  }
.LBB2_16:
0xb1: {  	s0 =	simm.s32 $0x3  }
.LBB2_17:
0xb2: {  	_ =	swait.ge [sflag:s3], $0x2000  }
0xb3: {  	[sflag:s3] =	ssyncset.done $0x0  }
0xb4: {  	[sflag:s3] =	ssyncadd.s32 $0xFFFFE000  }
.LBB2_18:
0xb5: {  	_ =	swait.ge [sflag:s0], $0x2000  }
0xb6: {  	[sflag:s0] =	ssyncset.done $0x0  }
0xb7: {  	[sflag:s0] =	ssyncadd.s32 $0xFFFFE000  }
.LBB2_19:
0xb8: {  	s14 =	sshll.u32 s26, $0x7;
	s0 =	sand.u32 $0x1, s26  }
0xb9: {  	s3 =	ssub.s32 s30, s14;
	p0 =	sne.s32 s0, s2  }
0xba: {  	p1 =	slt.s32 @!p0 s3, $0x1  }
0xbb: {  	p0 =	por p0, p1  }
.Ltmp12:
0xbc: {  	_ = 	snop;
	(pc) =	sbr.rel @p0 .LBB2_25-.Ltmp12, $1  }
0xbd: {  	_ =	sdelay $0x3  }
0xbe: {  	p0 =	sgt.u32 s3, $0x7F  }
.Ltmp13:
0xbf: {  	s0 =	sadd.s32 $0x1000, s14;
	(pc) =	sbr.rel @p0 .LBB2_24-.Ltmp13, $4  }
0xc0: {  	[tilespmem:s23], [sflag:$0x1] =	stream.indirect.gather [hbm4b:s4+s8], $0x40, s0, s8, $0xb8;
	[tilespmem:$0x8000] =	vst v63  }
0xc1: {  	_ =	swait.ge [sflag:s7], $0x2000  }
0xc2: {  	[sflag:s7] =	ssyncset.done $0x0  }
0xc3: {  	[sflag:s7] =	ssyncadd.s32 $0xFFFFE000  }
0xc4: {  	s0 =	sadd.s32 s28, s29;
	s1 =	sshll.u32 s26, $0xF  }
0xc5: {  	s1 =	ssub.s32 $0x0, s1;
	s8 =	sshll.u32 s0, $0x8  }
0xc6: {  	s0 =	ssub.s32 s0, s14;
	s1 =	sshra.s32 s1, $0x2;
	s8 =	sshra.s32 s8, $0x2  }
0xc7: {  	s31 =	sadd.s32 $0x7FFFFFFF, s0;
	s1 =	sadd.s32 s8, s1  }
0xc8: {  	s0 =	sadd.s32 $0x2020, s1;
	s1 =	sadd.s32 $0x1, s31  }
0xc9: {  	p0 =	slt.s32 s1, $0x7F  }
.Ltmp14:
0xca: {  	_ = 	snop;
	(pc) =	sbr.rel @!p0 .LBB2_23-.Ltmp14, $4  }
0xcb: {  	_ = 	snop  }
0xcc: {  	[tilespmem:s0+$0xFFFFFFE0] =	vst v3  }
0xcd: {  	[tilespmem:s0+$0x10] =	vst v0  }
0xce: {  	[tilespmem:s0+$0x0] =	vst v0  }
.LBB2_22:
0xcf: {  	s1 =	sadd.s32 $0x1, s1  }
0xd0: {  	[tilespmem:s0+$0xFFFFFFF0] =	vst v0;
	s0 =	sadd.s32 $0x40, s0;
	p0 =	slt.s32 s1, $0x7F  }
.Ltmp15:
0xd1: {  	[tilespmem:s0+$0xFFFFFFE0] =	vst v3;
	(pc) =	sbr.rel @p0 .LBB2_22-.Ltmp15, $3  }
0xd2: {  	_ =	sdelay $0x1  }
0xd3: {  	[tilespmem:s0+$0x10] =	vst v0  }
0xd4: {  	[tilespmem:s0+$0x0] =	vst v0  }
.LBB2_23:
0xd5: {  	[tilespmem:s0+$0xFFFFFFF0] =	vst v0;
	s8 =	simm.s32 $0x80  }
.LBB2_24:
0xd6: {  	s0 =	sadd.s32 s6, s14  }
0xd7: {  	s0 =	sshll.u32 s0, $0x3  }
0xd8: {  	s0 =	sand.u32 $0x1FFFFC00, s0  }
0xd9: {  	s0 =	sadd.s32 s9, s0  }
0xda: {  	[hbm4b:s0+s5] =	stream.linear.scatter [tilespmem:s23], [sflag:$0x4], $0x2000, $0x38;
	[tilespmem:$0x8000] =	vst v63  }
0xdb: {  	_ =	swait.ge [sflag:s19], $0x2000  }
0xdc: {  	[sflag:s19] =	ssyncset.done $0x0  }
0xdd: {  	[sflag:s19] =	ssyncadd.s32 $0xFFFFE000  }
.LBB2_25:
0xde: {  	p0 =	sgt.s32 s3, $0x0;
	s0 =	simm.s32 $0x1  }
0xdf: {  	s0 =	simm.s32 @!p0 $0x0  }
0xe0: {  	s0 =	sadd.s32 s0, s26  }
0xe1: {  	s1 =	sadd.s32 s13, s0  }
0xe2: {  	s1 =	sand.u32 $0x1, s1  }
0xe3: {  	s0 =	sadd.s32 s0, s1  }
0xe4: {  	s1 =	ssub.s32 $0x21, s0  }
0xe5: {  	s30 =	sand.u32 $0x1, s1  }
0xe6: {  	p6 =	sgt.s32 s0, $0x20;
	p1 =	seq.s32 s30, $0x1  }
0xe7: {  	s31 =	sshrl.u32 s1, $0x1F;
	p0 =	por !p6, !p1  }
0xe8: {  	s3 =	simm.s32 $0x1;
	s1 =	sadd.s32 s31, s1;
	p0 =	por !p0, !p0  }
0xe9: {  	s1 =	sshra.s32 s1, $0x1;
	s3 =	simm.s32 @!p0 $0x0  }
0xea: {  	s1 =	ssub.s32 s1, s3  }
0xeb: {  	p0 =	slt.s32 s1, $0x1  }
.Ltmp16:
0xec: {  	_ = 	snop;
	(pc) =	sbr.rel @p0 .LBB2_29-.Ltmp16, $1  }
0xed: {  	_ =	sdelay $0x3  }
0xee: {  	s1 =	ssub.s32 $0x0, s1  }
0xef: {  	s0 =	sshll.u32 s0, $0xA;
	s1 =	sadd.s32 $0x1, s1  }
0xf0: {  	s0 =	sadd.s32 s24, s0;
	p0 =	seq.s32 s1, $0x0  }
.Ltmp17:
0xf1: {  	s3 =	sand.u32 $0x1FFFFC00, s0;
	(pc) =	sbr.rel @p0 .LBB2_28-.Ltmp17, $4  }
0xf2: {  	s3 =	sadd.s32 s9, s3  }
0xf3: {  	[hbm4b:s3+s5] =	stream.linear.scatter [tilespmem:s20], [sflag:$0x4], $0x2000, $0x38;
	[tilespmem:$0x8000] =	vst v63  }
0xf4: {  	_ =	swait.ge [sflag:s19], $0x2000  }
0xf5: {  	[sflag:s19] =	ssyncset.done $0x0  }
.LBB2_27:
0xf6: {  	s1 =	sadd.s32 $0x1, s1  }
0xf7: {  	[sflag:s19] =	ssyncadd.s32 $0xFFFFE000;
	s0 =	sadd.s32 $0x800, s0;
	p0 =	seq.s32 s1, $0x0  }
.Ltmp18:
0xf8: {  	s3 =	sand.u32 $0x1FFFFC00, s0;
	(pc) =	sbr.rel @!p0 .LBB2_27-.Ltmp18, $4  }
0xf9: {  	s3 =	sadd.s32 s9, s3  }
0xfa: {  	[hbm4b:s3+s5] =	stream.linear.scatter [tilespmem:s20], [sflag:$0x4], $0x2000, $0x38;
	[tilespmem:$0x8000] =	vst v63  }
0xfb: {  	_ =	swait.ge [sflag:s19], $0x2000  }
0xfc: {  	[sflag:s19] =	ssyncset.done $0x0  }
.Ltmp19:
0xfd: {  	_ = 	snop;
	(pc) =	sbr.rel .LBB2_28-.Ltmp19, $1  }
0xfe: {  	_ =	sdelay $0x3  }
.LBB2_9:
.Ltmp20:
0xff: {  	(pc) =	sbr.rel .LBB2_14-.Ltmp20, $3  }
0x100: {  	_ =	sdelay $0x1  }
0x101: {  	s18 =	rddreg [dreg:$0xa]  }
0x102: {  	s17 =	rddreg [dreg:$0x9]  }
.LBB2_11:
.Ltmp21:
0x103: {  	(pc) =	sbr.rel .LBB2_14-.Ltmp21, $3  }
0x104: {  	_ =	sdelay $0x1  }
0x105: {  	s16 =	smov.u32 s10;
	s10 =	smov.u32 s11;
	s11 =	rddreg [dreg:$0x3]  }
0x106: {  	s13 =	srdreg.scid;
	s22 =	rddreg [dreg:$0x4]  }
.LBB2_30:
0x107: {  	_ =	sfence.sel $0x180000  }
0x108: {  	[bflag:$0x0] =	sbarrier.arrive $0xFFFF  }
0x109: {  	_ =	strace $0x90000047  }
0x10a: {  	s0 =	stileid.u32;
	[bflag:$0x2] =	sbarrier.arrive $0xFFFF  }
0x10b: {  	p0 =	sne.s32 s0, $0x0;
	s0 =	rddreg [dreg:$0x2]  }
0x10c: {  	s0 =	sadd.s32 @!p0 $0x100000, s0  }
0x10d: {  	[sflag:s0] =	ssyncadd.tile.s32 @!p0 $0x1;
	_ =	shalt  }
.Lfunc_end2:
_tile_overlayer_lowered:
.L_overlay_start_2:
0x10e: {  	(tag) =	ssettag $0x2  }
0x10f: {  	s0 =	rddreg [dreg:$0x0];
	s2 =	stileid.u32  }
0x110: {  	s1 =	rddreg [dreg:$0x1];
	p0 =	sne.s32 s2, $0x0  }
0x111: {  	s3 =	rddreg [dreg:$0x2];
	[bflag:$0x3] =	sbarrier.arrive $0xFFFF;
	s2 =	simm.s32 @!p0 $0x1C04  }
0x112: {  	[timem:s3], [sflag:s2] =	dma.local @!p0 [hbm:s0], s1  }
0x113: {  	s0 =	simm.s32 @!p0 $0x4  }
0x114: {  	_ =	swait.ge @!p0 [sflag:s0], s1  }
0x115: {  	s1 =	ssub.s32 @!p0 $0x0, s1;
	[sflag:s0] =	ssyncset.done @!p0 $0x0  }
0x116: {  	[sflag:s0] =	ssyncadd.s32 @!p0 s1  }
0x117: {  	[bflag:$0x3] =	sbarrier.arrive $0xFFFF  }
0x118: {  	_ =	shalt  }

</sc_bundles>
